<compile_context>
chip_gen: v7x
topology: tpu7x:2x2x1
jax: 0.10.2.dev20260603
libtpu: 0.0.44.dev20260713+nightly
codegen_flags: <defaults>
</compile_context>

<pallas_src>
import functools

import jax
import jax.numpy as jnp
from jax.experimental import pallas as pl
from jax.experimental.pallas import tpu as pltpu
from jax.experimental.pallas import tpu_sc as plsc

_N = 20000
_PRE = 4096
_POST = 500
_NMS_THRESH = 0.1
_SCORE_THRESH = 0.1
_R = 32
_C = 128


def _sup_tile(rb_ref, colaux_ref, cj):

    def ra(d):
        return rb_ref[d]

    def ca(d):
        return colaux_ref[d, pl.ds(cj, 1), :]

    ix = jnp.maximum(jnp.minimum(ra(3), ca(3)) - jnp.maximum(ra(0), ca(0)), 0.0)
    iy = jnp.maximum(jnp.minimum(ra(4), ca(4)) - jnp.maximum(ra(1), ca(1)), 0.0)
    iz = jnp.maximum(jnp.minimum(ra(5), ca(5)) - jnp.maximum(ra(2), ca(2)), 0.0)
    inter = ix * iy * iz
    union = jnp.maximum(ra(6) + ca(6) - inter, 1e-6)
    return (inter > _NMS_THRESH * union).astype(jnp.float32)


def _nms_body(colaux_ref, rowaux_ref, valid_ref, keep_ref, rb_ref):
    keep_ref[...] = valid_ref[...]
    sub = jax.lax.broadcasted_iota(jnp.int32, (_C, _C), 0)
    lanesq = jax.lax.broadcasted_iota(jnp.int32, (_C, _C), 1)

    def block(bi, carry):
        r0 = bi * _C
        for d in range(7):
            rb_ref[d] = jnp.broadcast_to(
                rowaux_ref[d, pl.ds(r0, _C), :], (_C, _C))
        s_bb = _sup_tile(rb_ref, colaux_ref, bi)
        s_bb = jnp.where(lanesq > sub, s_bb, 0.0)
        kb = keep_ref[pl.ds(bi, 1), :]

        def w_cond(c):
            return c[1]

        def w_body(c):
            x, _ = c
            sup = jnp.dot(x, s_bb, preferred_element_type=jnp.float32)
            nx = jnp.where(sup > 0.0, 0.0, kb)
            return nx, jnp.any(nx != x)

        x, _ = jax.lax.while_loop(w_cond, w_body, (kb, True))
        keep_ref[pl.ds(bi, 1), :] = x

        def chunk8(q, carry2):
            for t in range(8):
                cj = q * 8 + t
                s_bc = _sup_tile(rb_ref, colaux_ref, cj)
                sup = jnp.dot(x, s_bc, preferred_element_type=jnp.float32)
                live = (cj > bi).astype(jnp.float32)
                krow = keep_ref[pl.ds(cj, 1), :]
                keep_ref[pl.ds(cj, 1), :] = jnp.where(
                    sup * live > 0.0, 0.0, krow)
            return carry2

        jax.lax.fori_loop((bi + 1) // 8, _R // 8, chunk8, 0)
        return carry

    jax.lax.fori_loop(0, _R, block, 0)


_NW = 32
_BPW = _PRE // _NW


def _sc_gather(table16, idx):
    mesh = plsc.VectorSubcoreMesh(core_axis_name="c", subcore_axis_name="s")

    @functools.partial(
        pl.kernel, mesh=mesh,
        out_type=jax.ShapeDtypeStruct((_PRE, 128), jnp.float32),
        scratch_types=[
            pltpu.VMEM((_BPW,), jnp.int32),
            pltpu.VMEM((_BPW, 128), jnp.float32),
            pltpu.SemaphoreType.DMA,
        ],
    )
    def k(table_hbm, idx_hbm, out_hbm, idx_v, rows_v, sem):
        wid = jax.lax.axis_index("s") * 2 + jax.lax.axis_index("c")
        base = wid * _BPW
        pltpu.sync_copy(idx_hbm.at[pl.ds(base, _BPW)], idx_v)
        pltpu.async_copy(table_hbm.at[idx_v], rows_v, sem).wait()
        pltpu.sync_copy(rows_v, out_hbm.at[pl.ds(base, _BPW)])

    return k(table16, idx)


def kernel(box_scores, box_preds):
    _, idx = jax.lax.top_k(box_scores, _PRE)
    table = jnp.pad(
        jnp.concatenate([box_preds, box_scores[:, None]], axis=1),
        ((0, 0), (0, 120)))
    g = _sc_gather(table, idx)
    s = g[:, 7]
    b = g[:, :7]
    c = b[:, :3]
    d = jnp.abs(b[:, 3:6])
    mn = c - d * 0.5
    mx = c + d * 0.5
    vol = (d[:, 0] * d[:, 1] * d[:, 2])[:, None]
    cat = jnp.concatenate([mn, mx, vol], axis=1).T
    colaux = cat.reshape(7, _R, _C)
    rowaux = cat.reshape(7, _PRE, 1)
    valid = (s > _SCORE_THRESH).astype(jnp.float32).reshape(_R, _C)
    keep_f = pl.pallas_call(
        _nms_body,
        out_shape=jax.ShapeDtypeStruct((_R, _C), jnp.float32),
        scratch_shapes=[pltpu.VMEM((7, _C, _C), jnp.float32)],
    )(colaux, rowaux, valid)
    keep = keep_f.reshape(_PRE) > 0.5
    kept_masked = jnp.where(keep, s, -1.0)
    _, order = jax.lax.top_k(kept_masked, _POST)
    sel_valid = keep[order]
    sel_scores = jnp.where(sel_valid, s[order], 0.0)
    sel_idx = jnp.where(sel_valid, idx[order], -1)
    return sel_scores, sel_idx

# --- scband reference (transcript-rebuilt; emitter-appended) ---
"""Pipeline reference for scband-detector-4681514353331 (READ-ONLY COPY).

The authoritative reference and input builder live on the scoring server;
editing this copy changes nothing except your own understanding.
"""

import jax, jax.numpy as jnp
import numpy as np

N = 20000
PRE = 4096
POST = 500
NMS_THRESH = 0.1
SCORE_THRESH = 0.1


def setup_inputs(seed: int = 0) -> dict:
    key = jax.random.key(seed)
    k1, k2, k3, k4 = jax.random.split(key, 4)
    box_scores = jax.random.uniform(k1, (N,), dtype=jnp.float32)
    centers = jax.random.uniform(k2, (N, 3), dtype=jnp.float32) * jnp.array([70.0, 80.0, 4.0]) + jnp.array([0.0, -40.0, -3.0])
    sizes = jax.random.uniform(k3, (N, 3), dtype=jnp.float32) * jnp.array([4.0, 2.0, 1.5]) + jnp.array([1.0, 0.5, 0.5])
    heading = jax.random.uniform(k4, (N, 1), dtype=jnp.float32) * (2.0 * np.pi) - np.pi
    box_preds = jnp.concatenate([centers, sizes, heading], axis=1).astype(jnp.float32)
    return {"box_scores": box_scores, "box_preds": box_preds}


def _iou3d_matrix(boxes):
    # axis-aligned 3D IoU between all pairs of (x,y,z,dx,dy,dz,heading) boxes
    c = boxes[:, :3]
    d = jnp.abs(boxes[:, 3:6])
    mn = c - d / 2.0
    mx = c + d / 2.0
    lo = jnp.maximum(mn[:, None, :], mn[None, :, :])
    hi = jnp.minimum(mx[:, None, :], mx[None, :, :])
    inter = jnp.prod(jnp.clip(hi - lo, 0.0, None), axis=-1)
    vol = jnp.prod(d, axis=-1)
    union = vol[:, None] + vol[None, :] - inter
    return inter / jnp.maximum(union, 1e-6)


def reference(box_scores, box_preds):
    # class_final_nms: score threshold -> topk(PRE) -> greedy 3D NMS -> first POST kept
    masked = jnp.where(box_scores > SCORE_THRESH, box_scores, -1.0)
    _, idx = jax.lax.top_k(jax.lax.stop_gradient(masked), PRE)
    s = box_scores[idx]
    valid = s > SCORE_THRESH
    b = box_preds[idx]
    iou = _iou3d_matrix(b)
    ar = jnp.arange(PRE)

    def body(i, keep):
        sup = (iou[i] > NMS_THRESH) & (ar > i) & keep[i]
        return keep & (~sup)

    keep = jax.lax.fori_loop(0, PRE, body, valid)
    kept_masked = jnp.where(keep, s, -1.0)
    _, order = jax.lax.top_k(jax.lax.stop_gradient(kept_masked), POST)
    sel_valid = keep[order]
    sel_scores = jnp.where(sel_valid, s[order], 0.0)
    sel_idx = jnp.where(sel_valid, idx[order], -1)
    return sel_scores, sel_idx

if __name__ == "__main__":
    import jax
    _d = setup_inputs()
    print(jax.jit(kernel)(*tuple(_d.values())))

</pallas_src>

<mosaic_0001>
#map = affine_map<(d0, d1) -> (0, 0)>
#map1 = affine_map<(d0, d1) -> (0)>
module attributes {stable_mosaic.version = 14 : i64} {
  func.func @k(%arg0: i32, %arg1: i32, %arg2: memref<20000x128xf32, #tpu.memory_space<hbm>>, %arg3: memref<4096xi32, #tpu.memory_space<hbm>>, %arg4: memref<4096x128xf32, #tpu.memory_space<hbm>>, %arg5: memref<128xi32, #tpu.memory_space<vmem>>, %arg6: memref<128x128xf32, #tpu.memory_space<vmem>>, %arg7: memref<!tpu.dma_semaphore, #tpu.memory_space<semaphore_mem>>) attributes {dimension_semantics = [#tpu.dimension_semantics<core_parallel>, #tpu.dimension_semantics<subcore_parallel>], iteration_bounds = array<i64: 2, 16>, scalar_prefetch = 0 : i64, scratch_operands = 3 : i64, tpu.core_type = #tpu.core_type<sc_vector_subcore>, window_params = [{transform_indices = #map}, {transform_indices = #map1}, {transform_indices = #map}]} {
    %mul3A = arith.constant 2 : i32
    %mul3A_0 = arith.muli %arg1, %mul3A : i32
    %add3A = arith.addi %mul3A_0, %arg0 : i32
    %mul3A_1 = arith.constant 128 : i32
    %mul3A_2 = arith.muli %add3A, %mul3A_1 : i32
    "tpu.region"() ({
      %run_scoped3A = tpu.sem_alloc : memref<!tpu.dma_semaphore, #tpu.memory_space<semaphore_mem>>
      %dma_start3A_7 = tpu.memref_slice %arg3[%mul3A_2] : memref<4096xi32, #tpu.memory_space<hbm>> -> memref<128xi32, #tpu.memory_space<hbm>>
      %dma_start3A_8 = tpu.memref_slice %arg3[%mul3A_2] : memref<4096xi32, #tpu.memory_space<hbm>> -> memref<128xi32, #tpu.memory_space<hbm>>
      tpu.enqueue_dma source(%dma_start3A_8 : memref<128xi32, #tpu.memory_space<hbm>>) target(%arg5 : memref<128xi32, #tpu.memory_space<vmem>>) target_semaphore(%run_scoped3A : memref<!tpu.dma_semaphore, #tpu.memory_space<semaphore_mem>>)
      %dma_wait3A_9 = tpu.memref_slice %arg3[%mul3A_2] : memref<4096xi32, #tpu.memory_space<hbm>> -> memref<128xi32, #tpu.memory_space<hbm>>
      %dma_wait3A_10 = tpu.memref_slice %arg3[%mul3A_2] : memref<4096xi32, #tpu.memory_space<hbm>> -> memref<128xi32, #tpu.memory_space<hbm>>
      tpu.wait_dma2 semaphore(%run_scoped3A : memref<!tpu.dma_semaphore, #tpu.memory_space<semaphore_mem>>) src(%dma_wait3A_10 : memref<128xi32, #tpu.memory_space<hbm>>) dst(%arg5 : memref<128xi32, #tpu.memory_space<vmem>>)
      tpu.yield
    }) : () -> ()
    %dma_start3A = arith.constant 0 : i32
    %dma_start3A_3 = arith.constant 0 : i32
    %dma_start3A_4 = tpu.memref_slice %arg2[%dma_start3A, %dma_start3A_3] : memref<20000x128xf32, #tpu.memory_space<hbm>> -> memref<20000x128xf32, #tpu.memory_space<hbm>>
    tpu.enqueue_indirect_dma source(%dma_start3A_4 : memref<20000x128xf32, #tpu.memory_space<hbm>>) target(%arg6 : memref<128x128xf32, #tpu.memory_space<vmem>>) offsets(%arg5 : memref<128xi32, #tpu.memory_space<vmem>>) semaphore(%arg7 : memref<!tpu.dma_semaphore, #tpu.memory_space<semaphore_mem>>)
    %dma_wait3A = arith.constant 0 : i32
    %dma_wait3A_5 = arith.constant 0 : i32
    %dma_wait3A_6 = tpu.memref_slice %arg2[%dma_wait3A, %dma_wait3A_5] : memref<20000x128xf32, #tpu.memory_space<hbm>> -> memref<20000x128xf32, #tpu.memory_space<hbm>>
    tpu.wait_indirect_dma semaphore(%arg7 : memref<!tpu.dma_semaphore, #tpu.memory_space<semaphore_mem>>) src(%dma_wait3A_6 : memref<20000x128xf32, #tpu.memory_space<hbm>>) dst(%arg6 : memref<128x128xf32, #tpu.memory_space<vmem>>)
    "tpu.region"() ({
      %run_scoped3A = tpu.sem_alloc : memref<!tpu.dma_semaphore, #tpu.memory_space<semaphore_mem>>
      %dma_start3A_7 = arith.constant 0 : i32
      %dma_start3A_8 = tpu.memref_slice %arg4[%mul3A_2, %dma_start3A_7] : memref<4096x128xf32, #tpu.memory_space<hbm>> -> memref<128x128xf32, #tpu.memory_space<hbm>>
      %dma_start3A_9 = arith.constant 0 : i32
      %dma_start3A_10 = tpu.memref_slice %arg4[%mul3A_2, %dma_start3A_9] : memref<4096x128xf32, #tpu.memory_space<hbm>> -> memref<128x128xf32, #tpu.memory_space<hbm>>
      tpu.enqueue_dma source(%arg6 : memref<128x128xf32, #tpu.memory_space<vmem>>) target(%dma_start3A_10 : memref<128x128xf32, #tpu.memory_space<hbm>>) target_semaphore(%run_scoped3A : memref<!tpu.dma_semaphore, #tpu.memory_space<semaphore_mem>>)
      %dma_wait3A_11 = arith.constant 0 : i32
      %dma_wait3A_12 = tpu.memref_slice %arg4[%mul3A_2, %dma_wait3A_11] : memref<4096x128xf32, #tpu.memory_space<hbm>> -> memref<128x128xf32, #tpu.memory_space<hbm>>
      %dma_wait3A_13 = arith.constant 0 : i32
      %dma_wait3A_14 = tpu.memref_slice %arg4[%mul3A_2, %dma_wait3A_13] : memref<4096x128xf32, #tpu.memory_space<hbm>> -> memref<128x128xf32, #tpu.memory_space<hbm>>
      tpu.wait_dma2 semaphore(%run_scoped3A : memref<!tpu.dma_semaphore, #tpu.memory_space<semaphore_mem>>) src(%arg6 : memref<128x128xf32, #tpu.memory_space<vmem>>) dst(%dma_wait3A_14 : memref<128x128xf32, #tpu.memory_space<hbm>>)
      tpu.yield
    }) : () -> ()
    return
  }
}

module attributes {stable_mosaic.version = 14 : i64} {
  func.func @_nms_body(%arg0: memref<7x32x128xf32, #tpu.memory_space<vmem>>, %arg1: memref<7x4096x1xf32, #tpu.memory_space<vmem>>, %arg2: memref<32x128xf32, #tpu.memory_space<vmem>>, %arg3: memref<32x128xf32, #tpu.memory_space<vmem>>, %arg4: memref<7x128x128xf32, #tpu.memory_space<vmem>>) attributes {dimension_semantics = [], scalar_prefetch = 0 : i64, scratch_operands = 1 : i64, tpu.core_type = #tpu.core_type<tc>} {
    %get3A = arith.constant 0 : index
    %get3A_0 = arith.constant 0 : index
    %get3A_1 = vector.load %arg2[%get3A, %get3A_0] : memref<32x128xf32, #tpu.memory_space<vmem>>, vector<32x128xf32>
    %swap3A = arith.constant 0 : index
    %swap3A_2 = arith.constant 0 : index
    %swap3A_3 = vector.load %arg3[%swap3A, %swap3A_2] : memref<32x128xf32, #tpu.memory_space<vmem>>, vector<32x128xf32>
    tpu.vector_store %arg3[%swap3A, %swap3A_2], %get3A_1 {strides = array<i32>} : memref<32x128xf32, #tpu.memory_space<vmem>>, vector<32x128xf32>,
    %iota3A = tpu.iota {dimensions = array<i32: 0>} : vector<128x128xi32>
    %iota3A_4 = tpu.iota {dimensions = array<i32: 1>} : vector<128x128xi32>
    %scan3A = arith.constant 0 : i32
    %scan3A_5 = arith.constant 32 : i32
    %scan3A_6 = arith.addi %scan3A, %scan3A_5 : i32
    %scan3A_7 = arith.constant 1 : i32
    scf.for %scan3A_9 = %scan3A to %scan3A_6 step %scan3A_7  : i32 {
      %mul3A = arith.constant 128 : i32
      %mul3A_10 = arith.muli %scan3A_9, %mul3A : i32
      %get3A_11 = arith.constant 0 : index
      %get3A_12 = arith.index_cast %mul3A_10 : i32 to index
      %get3A_13 = arith.constant 0 : index
      %get3A_14 = vector.load %arg1[%get3A_11, %get3A_12, %get3A_13] : memref<7x4096x1xf32, #tpu.memory_space<vmem>>, vector<1x128x1xf32>
      %get3A_15 = vector.shape_cast %get3A_14 : vector<1x128x1xf32> to vector<128x1xf32>
      %broadcast_in_dim3A = vector.shape_cast %get3A_15 : vector<128x1xf32> to vector<128x1xf32>
      %broadcast_in_dim3A_16 = vector.broadcast %broadcast_in_dim3A : vector<128x1xf32> to vector<128x128xf32>
      %swap3A_17 = arith.constant 0 : index
      %swap3A_18 = arith.constant 0 : index
      %swap3A_19 = arith.constant 0 : index
      %swap3A_20 = vector.load %arg4[%swap3A_17, %swap3A_18, %swap3A_19] : memref<7x128x128xf32, #tpu.memory_space<vmem>>, vector<1x128x128xf32>
      %swap3A_21 = vector.shape_cast %swap3A_20 : vector<1x128x128xf32> to vector<128x128xf32>
      %swap3A_22 = vector.shape_cast %broadcast_in_dim3A_16 : vector<128x128xf32> to vector<1x128x128xf32>
      tpu.vector_store %arg4[%swap3A_17, %swap3A_18, %swap3A_19], %swap3A_22 {strides = array<i32>} : memref<7x128x128xf32, #tpu.memory_space<vmem>>, vector<1x128x128xf32>,
      %get3A_23 = arith.constant 1 : index
      %get3A_24 = arith.index_cast %mul3A_10 : i32 to index
      %get3A_25 = arith.constant 0 : index
      %get3A_26 = vector.load %arg1[%get3A_23, %get3A_24, %get3A_25] : memref<7x4096x1xf32, #tpu.memory_space<vmem>>, vector<1x128x1xf32>
      %get3A_27 = vector.shape_cast %get3A_26 : vector<1x128x1xf32> to vector<128x1xf32>
      %broadcast_in_dim3A_28 = vector.shape_cast %get3A_27 : vector<128x1xf32> to vector<128x1xf32>
      %broadcast_in_dim3A_29 = vector.broadcast %broadcast_in_dim3A_28 : vector<128x1xf32> to vector<128x128xf32>
      %swap3A_30 = arith.constant 1 : index
      %swap3A_31 = arith.constant 0 : index
      %swap3A_32 = arith.constant 0 : index
      %swap3A_33 = vector.load %arg4[%swap3A_30, %swap3A_31, %swap3A_32] : memref<7x128x128xf32, #tpu.memory_space<vmem>>, vector<1x128x128xf32>
      %swap3A_34 = vector.shape_cast %swap3A_33 : vector<1x128x128xf32> to vector<128x128xf32>
      %swap3A_35 = vector.shape_cast %broadcast_in_dim3A_29 : vector<128x128xf32> to vector<1x128x128xf32>
      tpu.vector_store %arg4[%swap3A_30, %swap3A_31, %swap3A_32], %swap3A_35 {strides = array<i32>} : memref<7x128x128xf32, #tpu.memory_space<vmem>>, vector<1x128x128xf32>,
      %get3A_36 = arith.constant 2 : index
      %get3A_37 = arith.index_cast %mul3A_10 : i32 to index
      %get3A_38 = arith.constant 0 : index
      %get3A_39 = vector.load %arg1[%get3A_36, %get3A_37, %get3A_38] : memref<7x4096x1xf32, #tpu.memory_space<vmem>>, vector<1x128x1xf32>
      %get3A_40 = vector.shape_cast %get3A_39 : vector<1x128x1xf32> to vector<128x1xf32>
      %broadcast_in_dim3A_41 = vector.shape_cast %get3A_40 : vector<128x1xf32> to vector<128x1xf32>
      %broadcast_in_dim3A_42 = vector.broadcast %broadcast_in_dim3A_41 : vector<128x1xf32> to vector<128x128xf32>
      %swap3A_43 = arith.constant 2 : index
      %swap3A_44 = arith.constant 0 : index
      %swap3A_45 = arith.constant 0 : index
      %swap3A_46 = vector.load %arg4[%swap3A_43, %swap3A_44, %swap3A_45] : memref<7x128x128xf32, #tpu.memory_space<vmem>>, vector<1x128x128xf32>
      %swap3A_47 = vector.shape_cast %swap3A_46 : vector<1x128x128xf32> to vector<128x128xf32>
      %swap3A_48 = vector.shape_cast %broadcast_in_dim3A_42 : vector<128x128xf32> to vector<1x128x128xf32>
      tpu.vector_store %arg4[%swap3A_43, %swap3A_44, %swap3A_45], %swap3A_48 {strides = array<i32>} : memref<7x128x128xf32, #tpu.memory_space<vmem>>, vector<1x128x128xf32>,
      %get3A_49 = arith.constant 3 : index
      %get3A_50 = arith.index_cast %mul3A_10 : i32 to index
      %get3A_51 = arith.constant 0 : index
      %get3A_52 = vector.load %arg1[%get3A_49, %get3A_50, %get3A_51] : memref<7x4096x1xf32, #tpu.memory_space<vmem>>, vector<1x128x1xf32>
      %get3A_53 = vector.shape_cast %get3A_52 : vector<1x128x1xf32> to vector<128x1xf32>
      %broadcast_in_dim3A_54 = vector.shape_cast %get3A_53 : vector<128x1xf32> to vector<128x1xf32>
      %broadcast_in_dim3A_55 = vector.broadcast %broadcast_in_dim3A_54 : vector<128x1xf32> to vector<128x128xf32>
      %swap3A_56 = arith.constant 3 : index
      %swap3A_57 = arith.constant 0 : index
      %swap3A_58 = arith.constant 0 : index
      %swap3A_59 = vector.load %arg4[%swap3A_56, %swap3A_57, %swap3A_58] : memref<7x128x128xf32, #tpu.memory_space<vmem>>, vector<1x128x128xf32>
      %swap3A_60 = vector.shape_cast %swap3A_59 : vector<1x128x128xf32> to vector<128x128xf32>
      %swap3A_61 = vector.shape_cast %broadcast_in_dim3A_55 : vector<128x128xf32> to vector<1x128x128xf32>
      tpu.vector_store %arg4[%swap3A_56, %swap3A_57, %swap3A_58], %swap3A_61 {strides = array<i32>} : memref<7x128x128xf32, #tpu.memory_space<vmem>>, vector<1x128x128xf32>,
      %get3A_62 = arith.constant 4 : index
      %get3A_63 = arith.index_cast %mul3A_10 : i32 to index
      %get3A_64 = arith.constant 0 : index
      %get3A_65 = vector.load %arg1[%get3A_62, %get3A_63, %get3A_64] : memref<7x4096x1xf32, #tpu.memory_space<vmem>>, vector<1x128x1xf32>
      %get3A_66 = vector.shape_cast %get3A_65 : vector<1x128x1xf32> to vector<128x1xf32>
      %broadcast_in_dim3A_67 = vector.shape_cast %get3A_66 : vector<128x1xf32> to vector<128x1xf32>
      %broadcast_in_dim3A_68 = vector.broadcast %broadcast_in_dim3A_67 : vector<128x1xf32> to vector<128x128xf32>
      %swap3A_69 = arith.constant 4 : index
      %swap3A_70 = arith.constant 0 : index
      %swap3A_71 = arith.constant 0 : index
      %swap3A_72 = vector.load %arg4[%swap3A_69, %swap3A_70, %swap3A_71] : memref<7x128x128xf32, #tpu.memory_space<vmem>>, vector<1x128x128xf32>
      %swap3A_73 = vector.shape_cast %swap3A_72 : vector<1x128x128xf32> to vector<128x128xf32>
      %swap3A_74 = vector.shape_cast %broadcast_in_dim3A_68 : vector<128x128xf32> to vector<1x128x128xf32>
      tpu.vector_store %arg4[%swap3A_69, %swap3A_70, %swap3A_71], %swap3A_74 {strides = array<i32>} : memref<7x128x128xf32, #tpu.memory_space<vmem>>, vector<1x128x128xf32>,
      %get3A_75 = arith.constant 5 : index
      %get3A_76 = arith.index_cast %mul3A_10 : i32 to index
      %get3A_77 = arith.constant 0 : index
      %get3A_78 = vector.load %arg1[%get3A_75, %get3A_76, %get3A_77] : memref<7x4096x1xf32, #tpu.memory_space<vmem>>, vector<1x128x1xf32>
      %get3A_79 = vector.shape_cast %get3A_78 : vector<1x128x1xf32> to vector<128x1xf32>
      %broadcast_in_dim3A_80 = vector.shape_cast %get3A_79 : vector<128x1xf32> to vector<128x1xf32>
      %broadcast_in_dim3A_81 = vector.broadcast %broadcast_in_dim3A_80 : vector<128x1xf32> to vector<128x128xf32>
      %swap3A_82 = arith.constant 5 : index
      %swap3A_83 = arith.constant 0 : index
      %swap3A_84 = arith.constant 0 : index
      %swap3A_85 = vector.load %arg4[%swap3A_82, %swap3A_83, %swap3A_84] : memref<7x128x128xf32, #tpu.memory_space<vmem>>, vector<1x128x128xf32>
      %swap3A_86 = vector.shape_cast %swap3A_85 : vector<1x128x128xf32> to vector<128x128xf32>
      %swap3A_87 = vector.shape_cast %broadcast_in_dim3A_81 : vector<128x128xf32> to vector<1x128x128xf32>
      tpu.vector_store %arg4[%swap3A_82, %swap3A_83, %swap3A_84], %swap3A_87 {strides = array<i32>} : memref<7x128x128xf32, #tpu.memory_space<vmem>>, vector<1x128x128xf32>,
      %get3A_88 = arith.constant 6 : index
      %get3A_89 = arith.index_cast %mul3A_10 : i32 to index
      %get3A_90 = arith.constant 0 : index
      %get3A_91 = vector.load %arg1[%get3A_88, %get3A_89, %get3A_90] : memref<7x4096x1xf32, #tpu.memory_space<vmem>>, vector<1x128x1xf32>
      %get3A_92 = vector.shape_cast %get3A_91 : vector<1x128x1xf32> to vector<128x1xf32>
      %broadcast_in_dim3A_93 = vector.shape_cast %get3A_92 : vector<128x1xf32> to vector<128x1xf32>
      %broadcast_in_dim3A_94 = vector.broadcast %broadcast_in_dim3A_93 : vector<128x1xf32> to vector<128x128xf32>
      %swap3A_95 = arith.constant 6 : index
      %swap3A_96 = arith.constant 0 : index
      %swap3A_97 = arith.constant 0 : index
      %swap3A_98 = vector.load %arg4[%swap3A_95, %swap3A_96, %swap3A_97] : memref<7x128x128xf32, #tpu.memory_space<vmem>>, vector<1x128x128xf32>
      %swap3A_99 = vector.shape_cast %swap3A_98 : vector<1x128x128xf32> to vector<128x128xf32>
      %swap3A_100 = vector.shape_cast %broadcast_in_dim3A_94 : vector<128x128xf32> to vector<1x128x128xf32>
      tpu.vector_store %arg4[%swap3A_95, %swap3A_96, %swap3A_97], %swap3A_100 {strides = array<i32>} : memref<7x128x128xf32, #tpu.memory_space<vmem>>, vector<1x128x128xf32>,
      %get3A_101 = arith.constant 3 : index
      %get3A_102 = arith.constant 0 : index
      %get3A_103 = arith.constant 0 : index
      %get3A_104 = vector.load %arg4[%get3A_101, %get3A_102, %get3A_103] : memref<7x128x128xf32, #tpu.memory_space<vmem>>, vector<1x128x128xf32>
      %get3A_105 = vector.shape_cast %get3A_104 : vector<1x128x128xf32> to vector<128x128xf32>
      %get3A_106 = arith.constant 3 : index
      %get3A_107 = arith.index_cast %scan3A_9 : i32 to index
      %get3A_108 = arith.constant 0 : index
      %get3A_109 = vector.load %arg0[%get3A_106, %get3A_107, %get3A_108] : memref<7x32x128xf32, #tpu.memory_space<vmem>>, vector<1x1x128xf32>
      %get3A_110 = vector.shape_cast %get3A_109 : vector<1x1x128xf32> to vector<1x128xf32>
      %min3A = vector.broadcast %get3A_110 : vector<1x128xf32> to vector<128x128xf32>
      %min3A_111 = arith.minimumf %get3A_105, %min3A : vector<128x128xf32>
      %get3A_112 = arith.constant 0 : index
      %get3A_113 = arith.constant 0 : index
      %get3A_114 = arith.constant 0 : index
      %get3A_115 = vector.load %arg4[%get3A_112, %get3A_113, %get3A_114] : memref<7x128x128xf32, #tpu.memory_space<vmem>>, vector<1x128x128xf32>
      %get3A_116 = vector.shape_cast %get3A_115 : vector<1x128x128xf32> to vector<128x128xf32>
      %get3A_117 = arith.constant 0 : index
      %get3A_118 = arith.index_cast %scan3A_9 : i32 to index
      %get3A_119 = arith.constant 0 : index
      %get3A_120 = vector.load %arg0[%get3A_117, %get3A_118, %get3A_119] : memref<7x32x128xf32, #tpu.memory_space<vmem>>, vector<1x1x128xf32>
      %get3A_121 = vector.shape_cast %get3A_120 : vector<1x1x128xf32> to vector<1x128xf32>
      %max3A = vector.broadcast %get3A_121 : vector<1x128xf32> to vector<128x128xf32>
      %max3A_122 = arith.maximumf %get3A_116, %max3A : vector<128x128xf32>
      %sub3A = arith.subf %min3A_111, %max3A_122 : vector<128x128xf32>
      %max3A_123 = arith.constant 0.000000e+00 : f32
      %max3A_124 = vector.broadcast %max3A_123 : f32 to vector<128x128xf32>
      %max3A_125 = arith.maximumf %sub3A, %max3A_124 : vector<128x128xf32>
      %get3A_126 = arith.constant 4 : index
      %get3A_127 = arith.constant 0 : index
      %get3A_128 = arith.constant 0 : index
      %get3A_129 = vector.load %arg4[%get3A_126, %get3A_127, %get3A_128] : memref<7x128x128xf32, #tpu.memory_space<vmem>>, vector<1x128x128xf32>
      %get3A_130 = vector.shape_cast %get3A_129 : vector<1x128x128xf32> to vector<128x128xf32>
      %get3A_131 = arith.constant 4 : index
      %get3A_132 = arith.index_cast %scan3A_9 : i32 to index
      %get3A_133 = arith.constant 0 : index
      %get3A_134 = vector.load %arg0[%get3A_131, %get3A_132, %get3A_133] : memref<7x32x128xf32, #tpu.memory_space<vmem>>, vector<1x1x128xf32>
      %get3A_135 = vector.shape_cast %get3A_134 : vector<1x1x128xf32> to vector<1x128xf32>
      %min3A_136 = vector.broadcast %get3A_135 : vector<1x128xf32> to vector<128x128xf32>
      %min3A_137 = arith.minimumf %get3A_130, %min3A_136 : vector<128x128xf32>
      %get3A_138 = arith.constant 1 : index
      %get3A_139 = arith.constant 0 : index
      %get3A_140 = arith.constant 0 : index
      %get3A_141 = vector.load %arg4[%get3A_138, %get3A_139, %get3A_140] : memref<7x128x128xf32, #tpu.memory_space<vmem>>, vector<1x128x128xf32>
      %get3A_142 = vector.shape_cast %get3A_141 : vector<1x128x128xf32> to vector<128x128xf32>
      %get3A_143 = arith.constant 1 : index
      %get3A_144 = arith.index_cast %scan3A_9 : i32 to index
      %get3A_145 = arith.constant 0 : index
      %get3A_146 = vector.load %arg0[%get3A_143, %get3A_144, %get3A_145] : memref<7x32x128xf32, #tpu.memory_space<vmem>>, vector<1x1x128xf32>
      %get3A_147 = vector.shape_cast %get3A_146 : vector<1x1x128xf32> to vector<1x128xf32>
      %max3A_148 = vector.broadcast %get3A_147 : vector<1x128xf32> to vector<128x128xf32>
      %max3A_149 = arith.maximumf %get3A_142, %max3A_148 : vector<128x128xf32>
      %sub3A_150 = arith.subf %min3A_137, %max3A_149 : vector<128x128xf32>
      %max3A_151 = arith.constant 0.000000e+00 : f32
      %max3A_152 = vector.broadcast %max3A_151 : f32 to vector<128x128xf32>
      %max3A_153 = arith.maximumf %sub3A_150, %max3A_152 : vector<128x128xf32>
      %get3A_154 = arith.constant 5 : index
      %get3A_155 = arith.constant 0 : index
      %get3A_156 = arith.constant 0 : index
      %get3A_157 = vector.load %arg4[%get3A_154, %get3A_155, %get3A_156] : memref<7x128x128xf32, #tpu.memory_space<vmem>>, vector<1x128x128xf32>
      %get3A_158 = vector.shape_cast %get3A_157 : vector<1x128x128xf32> to vector<128x128xf32>
      %get3A_159 = arith.constant 5 : index
      %get3A_160 = arith.index_cast %scan3A_9 : i32 to index
      %get3A_161 = arith.constant 0 : index
      %get3A_162 = vector.load %arg0[%get3A_159, %get3A_160, %get3A_161] : memref<7x32x128xf32, #tpu.memory_space<vmem>>, vector<1x1x128xf32>
      %get3A_163 = vector.shape_cast %get3A_162 : vector<1x1x128xf32> to vector<1x128xf32>
      %min3A_164 = vector.broadcast %get3A_163 : vector<1x128xf32> to vector<128x128xf32>
      %min3A_165 = arith.minimumf %get3A_158, %min3A_164 : vector<128x128xf32>
      %get3A_166 = arith.constant 2 : index
      %get3A_167 = arith.constant 0 : index
      %get3A_168 = arith.constant 0 : index
      %get3A_169 = vector.load %arg4[%get3A_166, %get3A_167, %get3A_168] : memref<7x128x128xf32, #tpu.memory_space<vmem>>, vector<1x128x128xf32>
      %get3A_170 = vector.shape_cast %get3A_169 : vector<1x128x128xf32> to vector<128x128xf32>
      %get3A_171 = arith.constant 2 : index
      %get3A_172 = arith.index_cast %scan3A_9 : i32 to index
      %get3A_173 = arith.constant 0 : index
      %get3A_174 = vector.load %arg0[%get3A_171, %get3A_172, %get3A_173] : memref<7x32x128xf32, #tpu.memory_space<vmem>>, vector<1x1x128xf32>
      %get3A_175 = vector.shape_cast %get3A_174 : vector<1x1x128xf32> to vector<1x128xf32>
      %max3A_176 = vector.broadcast %get3A_175 : vector<1x128xf32> to vector<128x128xf32>
      %max3A_177 = arith.maximumf %get3A_170, %max3A_176 : vector<128x128xf32>
      %sub3A_178 = arith.subf %min3A_165, %max3A_177 : vector<128x128xf32>
      %max3A_179 = arith.constant 0.000000e+00 : f32
      %max3A_180 = vector.broadcast %max3A_179 : f32 to vector<128x128xf32>
      %max3A_181 = arith.maximumf %sub3A_178, %max3A_180 : vector<128x128xf32>
      %mul3A_182 = arith.mulf %max3A_125, %max3A_153 : vector<128x128xf32>
      %mul3A_183 = arith.mulf %mul3A_182, %max3A_181 : vector<128x128xf32>
      %get3A_184 = arith.constant 6 : index
      %get3A_185 = arith.constant 0 : index
      %get3A_186 = arith.constant 0 : index
      %get3A_187 = vector.load %arg4[%get3A_184, %get3A_185, %get3A_186] : memref<7x128x128xf32, #tpu.memory_space<vmem>>, vector<1x128x128xf32>
      %get3A_188 = vector.shape_cast %get3A_187 : vector<1x128x128xf32> to vector<128x128xf32>
      %get3A_189 = arith.constant 6 : index
      %get3A_190 = arith.index_cast %scan3A_9 : i32 to index
      %get3A_191 = arith.constant 0 : index
      %get3A_192 = vector.load %arg0[%get3A_189, %get3A_190, %get3A_191] : memref<7x32x128xf32, #tpu.memory_space<vmem>>, vector<1x1x128xf32>
      %get3A_193 = vector.shape_cast %get3A_192 : vector<1x1x128xf32> to vector<1x128xf32>
      %add3A = vector.broadcast %get3A_193 : vector<1x128xf32> to vector<128x128xf32>
      %add3A_194 = arith.addf %get3A_188, %add3A : vector<128x128xf32>
      %sub3A_195 = arith.subf %add3A_194, %mul3A_183 : vector<128x128xf32>
      %max3A_196 = arith.constant 9.99999997E-7 : f32
      %max3A_197 = vector.broadcast %max3A_196 : f32 to vector<128x128xf32>
      %max3A_198 = arith.maximumf %sub3A_195, %max3A_197 : vector<128x128xf32>
      %mul3A_199 = arith.constant 1.000000e-01 : f32
      %mul3A_200 = vector.broadcast %mul3A_199 : f32 to vector<128x128xf32>
      %mul3A_201 = arith.mulf %mul3A_200, %max3A_198 : vector<128x128xf32>
      %gt3A = arith.cmpf ogt, %mul3A_183, %mul3A_201 : vector<128x128xf32>
      %convert_element_type3A = arith.extui %gt3A : vector<128x128xi1> to vector<128x128xi32>
      %convert_element_type3A_202 = arith.sitofp %convert_element_type3A : vector<128x128xi32> to vector<128x128xf32>
      %gt3A_203 = arith.cmpi sgt, %iota3A_4, %iota3A : vector<128x128xi32>
      %jit3A = arith.constant 0.000000e+00 : f32
      %broadcast_in_dim3A_204 = vector.broadcast %jit3A : f32 to vector<128x128xf32>
      %select_n3A = arith.select %gt3A_203, %convert_element_type3A_202, %broadcast_in_dim3A_204 : vector<128x128xi1>, vector<128x128xf32>
      %get3A_205 = arith.index_cast %scan3A_9 : i32 to index
      %get3A_206 = arith.constant 0 : index
      %get3A_207 = vector.load %arg3[%get3A_205, %get3A_206] : memref<32x128xf32, #tpu.memory_space<vmem>>, vector<1x128xf32>
      %while3A = arith.constant true
      %while3A_208:2 = scf.while (%while3A_243 = %get3A_207, %while3A_244 = %while3A) : (vector<1x128xf32>, i1) -> (vector<1x128xf32>, i1) {
        scf.condition(%while3A_244) %while3A_243, %while3A_244 : vector<1x128xf32>, i1
      } do {
      ^bb0(%while3A_243: vector<1x128xf32>, %while3A_244: i1):
        %dot_general3A = arith.constant dense<0.000000e+00> : vector<1x128xf32>
        %dot_general3A_245 = tpu.matmul %while3A_243, %select_n3A, %dot_general3A {dimension_numbers = #tpu.dot_dimension_numbers<[1], [0], [0], [1], [0, 0, 1, 1], [], []>, transpose_lhs_hint = false} : vector<1x128xf32>, vector<128x128xf32>, vector<1x128xf32> -> vector<1x128xf32>
        %gt3A_246 = arith.constant 0.000000e+00 : f32
        %gt3A_247 = vector.broadcast %gt3A_246 : f32 to vector<1x128xf32>
        %gt3A_248 = arith.cmpf ogt, %dot_general3A_245, %gt3A_247 : vector<1x128xf32>
        %jit3A_249 = arith.constant 0.000000e+00 : f32
        %broadcast_in_dim3A_250 = vector.broadcast %jit3A_249 : f32 to vector<1x128xf32>
        %select_n3A_251 = arith.select %gt3A_248, %broadcast_in_dim3A_250, %get3A_207 : vector<1x128xi1>, vector<1x128xf32>
        %ne3A_252 = arith.cmpf one, %select_n3A_251, %while3A_243 : vector<1x128xf32>
        %reduce_or3A = arith.constant 1.000000e+00 : f32
        %reduce_or3A_253 = arith.constant 0.000000e+00 : f32
        %reduce_or3A_254 = vector.broadcast %reduce_or3A : f32 to vector<1x128xf32>
        %reduce_or3A_255 = vector.broadcast %reduce_or3A_253 : f32 to vector<1x128xf32>
        %reduce_or3A_256 = arith.select %ne3A_252, %reduce_or3A_254, %reduce_or3A_255 : vector<1x128xi1>, vector<1x128xf32>
        %reduce_or3A_257 = vector.shape_cast %reduce_or3A_256 : vector<1x128xf32> to vector<1x1x128xf32>
        %reduce_or3A_258 = arith.constant dense<0xFF800000> : vector<1xf32>
        %reduce_or3A_259 = vector.multi_reduction <maximumf>, %reduce_or3A_257, %reduce_or3A_258 [1, 2] : vector<1x1x128xf32> to vector<1xf32>
        %reduce_or3A_260 = vector.shape_cast %reduce_or3A_259 : vector<1xf32> to vector<1x1x1xf32>
        %reduce_or3A_261 = vector.extract %reduce_or3A_260[0, 0, 0] : f32 from vector<1x1x1xf32>
        %reduce_or3A_262 = arith.constant 0.000000e+00 : f32
        %reduce_or3A_263 = arith.cmpf ogt, %reduce_or3A_261, %reduce_or3A_262 : f32
        scf.yield %select_n3A_251, %reduce_or3A_263 : vector<1x128xf32>, i1
      }
      %swap3A_209 = arith.index_cast %scan3A_9 : i32 to index
      %swap3A_210 = arith.constant 0 : index
      %swap3A_211 = vector.load %arg3[%swap3A_209, %swap3A_210] : memref<32x128xf32, #tpu.memory_space<vmem>>, vector<1x128xf32>
      tpu.vector_store %arg3[%swap3A_209, %swap3A_210], %while3A_208#0 {strides = array<i32>} : memref<32x128xf32, #tpu.memory_space<vmem>>, vector<1x128xf32>,
      %add3A_212 = arith.constant 1 : i32
      %add3A_213 = arith.addi %scan3A_9, %add3A_212 : i32
      %jit3A_214 = arith.constant 8 : i32
      %div3A = arith.divsi %add3A_213, %jit3A_214 : i32
      %sign3A = arith.constant 0 : i32
      %sign3A_215 = arith.cmpi sgt, %add3A_213, %sign3A : i32
      %sign3A_216 = arith.extui %sign3A_215 : i1 to i32
      %sign3A_217 = arith.constant 0 : i32
      %sign3A_218 = arith.cmpi slt, %add3A_213, %sign3A_217 : i32
      %sign3A_219 = arith.extui %sign3A_218 : i1 to i32
      %sign3A_220 = arith.subi %sign3A_216, %sign3A_219 : i32
      %sign3A_221 = arith.constant 0 : i32
      %sign3A_222 = arith.cmpi sgt, %jit3A_214, %sign3A_221 : i32
      %sign3A_223 = arith.extui %sign3A_222 : i1 to i32
      %sign3A_224 = arith.constant 0 : i32
      %sign3A_225 = arith.cmpi slt, %jit3A_214, %sign3A_224 : i32
      %sign3A_226 = arith.extui %sign3A_225 : i1 to i32
      %sign3A_227 = arith.subi %sign3A_223, %sign3A_226 : i32
      %ne3A = arith.cmpi ne, %sign3A_220, %sign3A_227 : i32
      %rem3A = arith.remsi %add3A_213, %jit3A_214 : i32
      %ne3A_228 = arith.constant 0 : i32
      %ne3A_229 = arith.cmpi ne, %rem3A, %ne3A_228 : i32
      %and3A = arith.andi %ne3A, %ne3A_229 : i1
      %sub3A_230 = arith.constant 1 : i32
      %sub3A_231 = arith.subi %div3A, %sub3A_230 : i32
      %select_n3A_232 = arith.select %and3A, %sub3A_231, %div3A : i32
      %while3A_233 = arith.constant 0 : i32
      %while3A_234 = arith.constant 4 : i32
      %while3A_235 = arith.subi %while3A_234, %select_n3A_232 : i32
      %while3A_236 = arith.addi %select_n3A_232, %while3A_235 : i32
      %while3A_237 = arith.constant 1 : i32
      %while3A_238 = arith.divsi %while3A_235, %while3A_237 : i32
      %while3A_239 = arith.muli %while3A_238, %while3A_237 : i32
      %while3A_240 = arith.addi %select_n3A_232, %while3A_239 : i32
      %while3A_241 = arith.constant 1 : i32
      scf.for %while3A_243 = %select_n3A_232 to %while3A_240 step %while3A_241  : i32 {
        %mul3A_244 = arith.constant 8 : i32
        %mul3A_245 = arith.muli %while3A_243, %mul3A_244 : i32
        %add3A_246 = arith.constant 0 : i32
        %add3A_247 = arith.addi %mul3A_245, %add3A_246 : i32
        %get3A_248 = arith.constant 3 : index
        %get3A_249 = arith.constant 0 : index
        %get3A_250 = arith.constant 0 : index
        %get3A_251 = vector.load %arg4[%get3A_248, %get3A_249, %get3A_250] : memref<7x128x128xf32, #tpu.memory_space<vmem>>, vector<1x128x128xf32>
        %get3A_252 = vector.shape_cast %get3A_251 : vector<1x128x128xf32> to vector<128x128xf32>
        %get3A_253 = arith.constant 3 : index
        %get3A_254 = arith.index_cast %add3A_247 : i32 to index
        %get3A_255 = arith.constant 0 : index
        %get3A_256 = vector.load %arg0[%get3A_253, %get3A_254, %get3A_255] : memref<7x32x128xf32, #tpu.memory_space<vmem>>, vector<1x1x128xf32>
        %get3A_257 = vector.shape_cast %get3A_256 : vector<1x1x128xf32> to vector<1x128xf32>
        %min3A_258 = vector.broadcast %get3A_257 : vector<1x128xf32> to vector<128x128xf32>
        %min3A_259 = arith.minimumf %get3A_252, %min3A_258 : vector<128x128xf32>
        %get3A_260 = arith.constant 0 : index
        %get3A_261 = arith.constant 0 : index
        %get3A_262 = arith.constant 0 : index
        %get3A_263 = vector.load %arg4[%get3A_260, %get3A_261, %get3A_262] : memref<7x128x128xf32, #tpu.memory_space<vmem>>, vector<1x128x128xf32>
        %get3A_264 = vector.shape_cast %get3A_263 : vector<1x128x128xf32> to vector<128x128xf32>
        %get3A_265 = arith.constant 0 : index
        %get3A_266 = arith.index_cast %add3A_247 : i32 to index
        %get3A_267 = arith.constant 0 : index
        %get3A_268 = vector.load %arg0[%get3A_265, %get3A_266, %get3A_267] : memref<7x32x128xf32, #tpu.memory_space<vmem>>, vector<1x1x128xf32>
        %get3A_269 = vector.shape_cast %get3A_268 : vector<1x1x128xf32> to vector<1x128xf32>
        %max3A_270 = vector.broadcast %get3A_269 : vector<1x128xf32> to vector<128x128xf32>
        %max3A_271 = arith.maximumf %get3A_264, %max3A_270 : vector<128x128xf32>
        %sub3A_272 = arith.subf %min3A_259, %max3A_271 : vector<128x128xf32>
        %max3A_273 = arith.constant 0.000000e+00 : f32
        %max3A_274 = vector.broadcast %max3A_273 : f32 to vector<128x128xf32>
        %max3A_275 = arith.maximumf %sub3A_272, %max3A_274 : vector<128x128xf32>
        %get3A_276 = arith.constant 4 : index
        %get3A_277 = arith.constant 0 : index
        %get3A_278 = arith.constant 0 : index
        %get3A_279 = vector.load %arg4[%get3A_276, %get3A_277, %get3A_278] : memref<7x128x128xf32, #tpu.memory_space<vmem>>, vector<1x128x128xf32>
        %get3A_280 = vector.shape_cast %get3A_279 : vector<1x128x128xf32> to vector<128x128xf32>
        %get3A_281 = arith.constant 4 : index
        %get3A_282 = arith.index_cast %add3A_247 : i32 to index
        %get3A_283 = arith.constant 0 : index
        %get3A_284 = vector.load %arg0[%get3A_281, %get3A_282, %get3A_283] : memref<7x32x128xf32, #tpu.memory_space<vmem>>, vector<1x1x128xf32>
        %get3A_285 = vector.shape_cast %get3A_284 : vector<1x1x128xf32> to vector<1x128xf32>
        %min3A_286 = vector.broadcast %get3A_285 : vector<1x128xf32> to vector<128x128xf32>
        %min3A_287 = arith.minimumf %get3A_280, %min3A_286 : vector<128x128xf32>
        %get3A_288 = arith.constant 1 : index
        %get3A_289 = arith.constant 0 : index
        %get3A_290 = arith.constant 0 : index
        %get3A_291 = vector.load %arg4[%get3A_288, %get3A_289, %get3A_290] : memref<7x128x128xf32, #tpu.memory_space<vmem>>, vector<1x128x128xf32>
        %get3A_292 = vector.shape_cast %get3A_291 : vector<1x128x128xf32> to vector<128x128xf32>
        %get3A_293 = arith.constant 1 : index
        %get3A_294 = arith.index_cast %add3A_247 : i32 to index
        %get3A_295 = arith.constant 0 : index
        %get3A_296 = vector.load %arg0[%get3A_293, %get3A_294, %get3A_295] : memref<7x32x128xf32, #tpu.memory_space<vmem>>, vector<1x1x128xf32>
        %get3A_297 = vector.shape_cast %get3A_296 : vector<1x1x128xf32> to vector<1x128xf32>
        %max3A_298 = vector.broadcast %get3A_297 : vector<1x128xf32> to vector<128x128xf32>
        %max3A_299 = arith.maximumf %get3A_292, %max3A_298 : vector<128x128xf32>
        %sub3A_300 = arith.subf %min3A_287, %max3A_299 : vector<128x128xf32>
        %max3A_301 = arith.constant 0.000000e+00 : f32
        %max3A_302 = vector.broadcast %max3A_301 : f32 to vector<128x128xf32>
        %max3A_303 = arith.maximumf %sub3A_300, %max3A_302 : vector<128x128xf32>
        %get3A_304 = arith.constant 5 : index
        %get3A_305 = arith.constant 0 : index
        %get3A_306 = arith.constant 0 : index
        %get3A_307 = vector.load %arg4[%get3A_304, %get3A_305, %get3A_306] : memref<7x128x128xf32, #tpu.memory_space<vmem>>, vector<1x128x128xf32>
        %get3A_308 = vector.shape_cast %get3A_307 : vector<1x128x128xf32> to vector<128x128xf32>
        %get3A_309 = arith.constant 5 : index
        %get3A_310 = arith.index_cast %add3A_247 : i32 to index
        %get3A_311 = arith.constant 0 : index
        %get3A_312 = vector.load %arg0[%get3A_309, %get3A_310, %get3A_311] : memref<7x32x128xf32, #tpu.memory_space<vmem>>, vector<1x1x128xf32>
        %get3A_313 = vector.shape_cast %get3A_312 : vector<1x1x128xf32> to vector<1x128xf32>
        %min3A_314 = vector.broadcast %get3A_313 : vector<1x128xf32> to vector<128x128xf32>
        %min3A_315 = arith.minimumf %get3A_308, %min3A_314 : vector<128x128xf32>
        %get3A_316 = arith.constant 2 : index
        %get3A_317 = arith.constant 0 : index
        %get3A_318 = arith.constant 0 : index
        %get3A_319 = vector.load %arg4[%get3A_316, %get3A_317, %get3A_318] : memref<7x128x128xf32, #tpu.memory_space<vmem>>, vector<1x128x128xf32>
        %get3A_320 = vector.shape_cast %get3A_319 : vector<1x128x128xf32> to vector<128x128xf32>
        %get3A_321 = arith.constant 2 : index
        %get3A_322 = arith.index_cast %add3A_247 : i32 to index
        %get3A_323 = arith.constant 0 : index
        %get3A_324 = vector.load %arg0[%get3A_321, %get3A_322, %get3A_323] : memref<7x32x128xf32, #tpu.memory_space<vmem>>, vector<1x1x128xf32>
        %get3A_325 = vector.shape_cast %get3A_324 : vector<1x1x128xf32> to vector<1x128xf32>
        %max3A_326 = vector.broadcast %get3A_325 : vector<1x128xf32> to vector<128x128xf32>
        %max3A_327 = arith.maximumf %get3A_320, %max3A_326 : vector<128x128xf32>
        %sub3A_328 = arith.subf %min3A_315, %max3A_327 : vector<128x128xf32>
        %max3A_329 = arith.constant 0.000000e+00 : f32
        %max3A_330 = vector.broadcast %max3A_329 : f32 to vector<128x128xf32>
        %max3A_331 = arith.maximumf %sub3A_328, %max3A_330 : vector<128x128xf32>
        %mul3A_332 = arith.mulf %max3A_275, %max3A_303 : vector<128x128xf32>
        %mul3A_333 = arith.mulf %mul3A_332, %max3A_331 : vector<128x128xf32>
        %get3A_334 = arith.constant 6 : index
        %get3A_335 = arith.constant 0 : index
        %get3A_336 = arith.constant 0 : index
        %get3A_337 = vector.load %arg4[%get3A_334, %get3A_335, %get3A_336] : memref<7x128x128xf32, #tpu.memory_space<vmem>>, vector<1x128x128xf32>
        %get3A_338 = vector.shape_cast %get3A_337 : vector<1x128x128xf32> to vector<128x128xf32>
        %get3A_339 = arith.constant 6 : index
        %get3A_340 = arith.index_cast %add3A_247 : i32 to index
        %get3A_341 = arith.constant 0 : index
        %get3A_342 = vector.load %arg0[%get3A_339, %get3A_340, %get3A_341] : memref<7x32x128xf32, #tpu.memory_space<vmem>>, vector<1x1x128xf32>
        %get3A_343 = vector.shape_cast %get3A_342 : vector<1x1x128xf32> to vector<1x128xf32>
        %add3A_344 = vector.broadcast %get3A_343 : vector<1x128xf32> to vector<128x128xf32>
        %add3A_345 = arith.addf %get3A_338, %add3A_344 : vector<128x128xf32>
        %sub3A_346 = arith.subf %add3A_345, %mul3A_333 : vector<128x128xf32>
        %max3A_347 = arith.constant 9.99999997E-7 : f32
        %max3A_348 = vector.broadcast %max3A_347 : f32 to vector<128x128xf32>
        %max3A_349 = arith.maximumf %sub3A_346, %max3A_348 : vector<128x128xf32>
        %mul3A_350 = arith.constant 1.000000e-01 : f32
        %mul3A_351 = vector.broadcast %mul3A_350 : f32 to vector<128x128xf32>
        %mul3A_352 = arith.mulf %mul3A_351, %max3A_349 : vector<128x128xf32>
        %gt3A_353 = arith.cmpf ogt, %mul3A_333, %mul3A_352 : vector<128x128xf32>
        %convert_element_type3A_354 = arith.extui %gt3A_353 : vector<128x128xi1> to vector<128x128xi32>
        %convert_element_type3A_355 = arith.sitofp %convert_element_type3A_354 : vector<128x128xi32> to vector<128x128xf32>
        %dot_general3A = arith.constant dense<0.000000e+00> : vector<1x128xf32>
        %dot_general3A_356 = tpu.matmul %while3A_208#0, %convert_element_type3A_355, %dot_general3A {dimension_numbers = #tpu.dot_dimension_numbers<[1], [0], [0], [1], [0, 0, 1, 1], [], []>, transpose_lhs_hint = false} : vector<1x128xf32>, vector<128x128xf32>, vector<1x128xf32> -> vector<1x128xf32>
        %gt3A_357 = arith.cmpi sgt, %add3A_247, %scan3A_9 : i32
        %convert_element_type3A_358 = arith.extui %gt3A_357 : i1 to i32
        %convert_element_type3A_359 = arith.sitofp %convert_element_type3A_358 : i32 to f32
        %get3A_360 = arith.index_cast %add3A_247 : i32 to index
        %get3A_361 = arith.constant 0 : index
        %get3A_362 = vector.load %arg3[%get3A_360, %get3A_361] : memref<32x128xf32, #tpu.memory_space<vmem>>, vector<1x128xf32>
        %mul3A_363 = vector.broadcast %convert_element_type3A_359 : f32 to vector<1x128xf32>
        %mul3A_364 = arith.mulf %dot_general3A_356, %mul3A_363 : vector<1x128xf32>
        %gt3A_365 = arith.constant 0.000000e+00 : f32
        %gt3A_366 = vector.broadcast %gt3A_365 : f32 to vector<1x128xf32>
        %gt3A_367 = arith.cmpf ogt, %mul3A_364, %gt3A_366 : vector<1x128xf32>
        %jit3A_368 = arith.constant 0.000000e+00 : f32
        %broadcast_in_dim3A_369 = vector.broadcast %jit3A_368 : f32 to vector<1x128xf32>
        %select_n3A_370 = arith.select %gt3A_367, %broadcast_in_dim3A_369, %get3A_362 : vector<1x128xi1>, vector<1x128xf32>
        %swap3A_371 = arith.index_cast %add3A_247 : i32 to index
        %swap3A_372 = arith.constant 0 : index
        %swap3A_373 = vector.load %arg3[%swap3A_371, %swap3A_372] : memref<32x128xf32, #tpu.memory_space<vmem>>, vector<1x128xf32>
        tpu.vector_store %arg3[%swap3A_371, %swap3A_372], %select_n3A_370 {strides = array<i32>} : memref<32x128xf32, #tpu.memory_space<vmem>>, vector<1x128xf32>,
        %mul3A_374 = arith.constant 8 : i32
        %mul3A_375 = arith.muli %while3A_243, %mul3A_374 : i32
        %add3A_376 = arith.constant 1 : i32
        %add3A_377 = arith.addi %mul3A_375, %add3A_376 : i32
        %get3A_378 = arith.constant 3 : index
        %get3A_379 = arith.constant 0 : index
        %get3A_380 = arith.constant 0 : index
        %get3A_381 = vector.load %arg4[%get3A_378, %get3A_379, %get3A_380] : memref<7x128x128xf32, #tpu.memory_space<vmem>>, vector<1x128x128xf32>
        %get3A_382 = vector.shape_cast %get3A_381 : vector<1x128x128xf32> to vector<128x128xf32>
        %get3A_383 = arith.constant 3 : index
        %get3A_384 = arith.index_cast %add3A_377 : i32 to index
        %get3A_385 = arith.constant 0 : index
        %get3A_386 = vector.load %arg0[%get3A_383, %get3A_384, %get3A_385] : memref<7x32x128xf32, #tpu.memory_space<vmem>>, vector<1x1x128xf32>
        %get3A_387 = vector.shape_cast %get3A_386 : vector<1x1x128xf32> to vector<1x128xf32>
        %min3A_388 = vector.broadcast %get3A_387 : vector<1x128xf32> to vector<128x128xf32>
        %min3A_389 = arith.minimumf %get3A_382, %min3A_388 : vector<128x128xf32>
        %get3A_390 = arith.constant 0 : index
        %get3A_391 = arith.constant 0 : index
        %get3A_392 = arith.constant 0 : index
        %get3A_393 = vector.load %arg4[%get3A_390, %get3A_391, %get3A_392] : memref<7x128x128xf32, #tpu.memory_space<vmem>>, vector<1x128x128xf32>
        %get3A_394 = vector.shape_cast %get3A_393 : vector<1x128x128xf32> to vector<128x128xf32>
        %get3A_395 = arith.constant 0 : index
        %get3A_396 = arith.index_cast %add3A_377 : i32 to index
        %get3A_397 = arith.constant 0 : index
        %get3A_398 = vector.load %arg0[%get3A_395, %get3A_396, %get3A_397] : memref<7x32x128xf32, #tpu.memory_space<vmem>>, vector<1x1x128xf32>
        %get3A_399 = vector.shape_cast %get3A_398 : vector<1x1x128xf32> to vector<1x128xf32>
        %max3A_400 = vector.broadcast %get3A_399 : vector<1x128xf32> to vector<128x128xf32>
        %max3A_401 = arith.maximumf %get3A_394, %max3A_400 : vector<128x128xf32>
        %sub3A_402 = arith.subf %min3A_389, %max3A_401 : vector<128x128xf32>
        %max3A_403 = arith.constant 0.000000e+00 : f32
        %max3A_404 = vector.broadcast %max3A_403 : f32 to vector<128x128xf32>
        %max3A_405 = arith.maximumf %sub3A_402, %max3A_404 : vector<128x128xf32>
        %get3A_406 = arith.constant 4 : index
        %get3A_407 = arith.constant 0 : index
        %get3A_408 = arith.constant 0 : index
        %get3A_409 = vector.load %arg4[%get3A_406, %get3A_407, %get3A_408] : memref<7x128x128xf32, #tpu.memory_space<vmem>>, vector<1x128x128xf32>
        %get3A_410 = vector.shape_cast %get3A_409 : vector<1x128x128xf32> to vector<128x128xf32>
        %get3A_411 = arith.constant 4 : index
        %get3A_412 = arith.index_cast %add3A_377 : i32 to index
        %get3A_413 = arith.constant 0 : index
        %get3A_414 = vector.load %arg0[%get3A_411, %get3A_412, %get3A_413] : memref<7x32x128xf32, #tpu.memory_space<vmem>>, vector<1x1x128xf32>
        %get3A_415 = vector.shape_cast %get3A_414 : vector<1x1x128xf32> to vector<1x128xf32>
        %min3A_416 = vector.broadcast %get3A_415 : vector<1x128xf32> to vector<128x128xf32>
        %min3A_417 = arith.minimumf %get3A_410, %min3A_416 : vector<128x128xf32>
        %get3A_418 = arith.constant 1 : index
        %get3A_419 = arith.constant 0 : index
        %get3A_420 = arith.constant 0 : index
        %get3A_421 = vector.load %arg4[%get3A_418, %get3A_419, %get3A_420] : memref<7x128x128xf32, #tpu.memory_space<vmem>>, vector<1x128x128xf32>
        %get3A_422 = vector.shape_cast %get3A_421 : vector<1x128x128xf32> to vector<128x128xf32>
        %get3A_423 = arith.constant 1 : index
        %get3A_424 = arith.index_cast %add3A_377 : i32 to index
        %get3A_425 = arith.constant 0 : index
        %get3A_426 = vector.load %arg0[%get3A_423, %get3A_424, %get3A_425] : memref<7x32x128xf32, #tpu.memory_space<vmem>>, vector<1x1x128xf32>
        %get3A_427 = vector.shape_cast %get3A_426 : vector<1x1x128xf32> to vector<1x128xf32>
        %max3A_428 = vector.broadcast %get3A_427 : vector<1x128xf32> to vector<128x128xf32>
        %max3A_429 = arith.maximumf %get3A_422, %max3A_428 : vector<128x128xf32>
        %sub3A_430 = arith.subf %min3A_417, %max3A_429 : vector<128x128xf32>
        %max3A_431 = arith.constant 0.000000e+00 : f32
        %max3A_432 = vector.broadcast %max3A_431 : f32 to vector<128x128xf32>
        %max3A_433 = arith.maximumf %sub3A_430, %max3A_432 : vector<128x128xf32>
        %get3A_434 = arith.constant 5 : index
        %get3A_435 = arith.constant 0 : index
        %get3A_436 = arith.constant 0 : index
        %get3A_437 = vector.load %arg4[%get3A_434, %get3A_435, %get3A_436] : memref<7x128x128xf32, #tpu.memory_space<vmem>>, vector<1x128x128xf32>
        %get3A_438 = vector.shape_cast %get3A_437 : vector<1x128x128xf32> to vector<128x128xf32>
        %get3A_439 = arith.constant 5 : index
        %get3A_440 = arith.index_cast %add3A_377 : i32 to index
        %get3A_441 = arith.constant 0 : index
        %get3A_442 = vector.load %arg0[%get3A_439, %get3A_440, %get3A_441] : memref<7x32x128xf32, #tpu.memory_space<vmem>>, vector<1x1x128xf32>
        %get3A_443 = vector.shape_cast %get3A_442 : vector<1x1x128xf32> to vector<1x128xf32>
        %min3A_444 = vector.broadcast %get3A_443 : vector<1x128xf32> to vector<128x128xf32>
        %min3A_445 = arith.minimumf %get3A_438, %min3A_444 : vector<128x128xf32>
        %get3A_446 = arith.constant 2 : index
        %get3A_447 = arith.constant 0 : index
        %get3A_448 = arith.constant 0 : index
        %get3A_449 = vector.load %arg4[%get3A_446, %get3A_447, %get3A_448] : memref<7x128x128xf32, #tpu.memory_space<vmem>>, vector<1x128x128xf32>
        %get3A_450 = vector.shape_cast %get3A_449 : vector<1x128x128xf32> to vector<128x128xf32>
        %get3A_451 = arith.constant 2 : index
        %get3A_452 = arith.index_cast %add3A_377 : i32 to index
        %get3A_453 = arith.constant 0 : index
        %get3A_454 = vector.load %arg0[%get3A_451, %get3A_452, %get3A_453] : memref<7x32x128xf32, #tpu.memory_space<vmem>>, vector<1x1x128xf32>
        %get3A_455 = vector.shape_cast %get3A_454 : vector<1x1x128xf32> to vector<1x128xf32>
        %max3A_456 = vector.broadcast %get3A_455 : vector<1x128xf32> to vector<128x128xf32>
        %max3A_457 = arith.maximumf %get3A_450, %max3A_456 : vector<128x128xf32>
        %sub3A_458 = arith.subf %min3A_445, %max3A_457 : vector<128x128xf32>
        %max3A_459 = arith.constant 0.000000e+00 : f32
        %max3A_460 = vector.broadcast %max3A_459 : f32 to vector<128x128xf32>
        %max3A_461 = arith.maximumf %sub3A_458, %max3A_460 : vector<128x128xf32>
        %mul3A_462 = arith.mulf %max3A_405, %max3A_433 : vector<128x128xf32>
        %mul3A_463 = arith.mulf %mul3A_462, %max3A_461 : vector<128x128xf32>
        %get3A_464 = arith.constant 6 : index
        %get3A_465 = arith.constant 0 : index
        %get3A_466 = arith.constant 0 : index
        %get3A_467 = vector.load %arg4[%get3A_464, %get3A_465, %get3A_466] : memref<7x128x128xf32, #tpu.memory_space<vmem>>, vector<1x128x128xf32>
        %get3A_468 = vector.shape_cast %get3A_467 : vector<1x128x128xf32> to vector<128x128xf32>
        %get3A_469 = arith.constant 6 : index
        %get3A_470 = arith.index_cast %add3A_377 : i32 to index
        %get3A_471 = arith.constant 0 : index
        %get3A_472 = vector.load %arg0[%get3A_469, %get3A_470, %get3A_471] : memref<7x32x128xf32, #tpu.memory_space<vmem>>, vector<1x1x128xf32>
        %get3A_473 = vector.shape_cast %get3A_472 : vector<1x1x128xf32> to vector<1x128xf32>
        %add3A_474 = vector.broadcast %get3A_473 : vector<1x128xf32> to vector<128x128xf32>
        %add3A_475 = arith.addf %get3A_468, %add3A_474 : vector<128x128xf32>
        %sub3A_476 = arith.subf %add3A_475, %mul3A_463 : vector<128x128xf32>
        %max3A_477 = arith.constant 9.99999997E-7 : f32
        %max3A_478 = vector.broadcast %max3A_477 : f32 to vector<128x128xf32>
        %max3A_479 = arith.maximumf %sub3A_476, %max3A_478 : vector<128x128xf32>
        %mul3A_480 = arith.constant 1.000000e-01 : f32
        %mul3A_481 = vector.broadcast %mul3A_480 : f32 to vector<128x128xf32>
        %mul3A_482 = arith.mulf %mul3A_481, %max3A_479 : vector<128x128xf32>
        %gt3A_483 = arith.cmpf ogt, %mul3A_463, %mul3A_482 : vector<128x128xf32>
        %convert_element_type3A_484 = arith.extui %gt3A_483 : vector<128x128xi1> to vector<128x128xi32>
        %convert_element_type3A_485 = arith.sitofp %convert_element_type3A_484 : vector<128x128xi32> to vector<128x128xf32>
        %dot_general3A_486 = arith.constant dense<0.000000e+00> : vector<1x128xf32>
        %dot_general3A_487 = tpu.matmul %while3A_208#0, %convert_element_type3A_485, %dot_general3A_486 {dimension_numbers = #tpu.dot_dimension_numbers<[1], [0], [0], [1], [0, 0, 1, 1], [], []>, transpose_lhs_hint = false} : vector<1x128xf32>, vector<128x128xf32>, vector<1x128xf32> -> vector<1x128xf32>
        %gt3A_488 = arith.cmpi sgt, %add3A_377, %scan3A_9 : i32
        %convert_element_type3A_489 = arith.extui %gt3A_488 : i1 to i32
        %convert_element_type3A_490 = arith.sitofp %convert_element_type3A_489 : i32 to f32
        %get3A_491 = arith.index_cast %add3A_377 : i32 to index
        %get3A_492 = arith.constant 0 : index
        %get3A_493 = vector.load %arg3[%get3A_491, %get3A_492] : memref<32x128xf32, #tpu.memory_space<vmem>>, vector<1x128xf32>
        %mul3A_494 = vector.broadcast %convert_element_type3A_490 : f32 to vector<1x128xf32>
        %mul3A_495 = arith.mulf %dot_general3A_487, %mul3A_494 : vector<1x128xf32>
        %gt3A_496 = arith.constant 0.000000e+00 : f32
        %gt3A_497 = vector.broadcast %gt3A_496 : f32 to vector<1x128xf32>
        %gt3A_498 = arith.cmpf ogt, %mul3A_495, %gt3A_497 : vector<1x128xf32>
        %jit3A_499 = arith.constant 0.000000e+00 : f32
        %broadcast_in_dim3A_500 = vector.broadcast %jit3A_499 : f32 to vector<1x128xf32>
        %select_n3A_501 = arith.select %gt3A_498, %broadcast_in_dim3A_500, %get3A_493 : vector<1x128xi1>, vector<1x128xf32>
        %swap3A_502 = arith.index_cast %add3A_377 : i32 to index
        %swap3A_503 = arith.constant 0 : index
        %swap3A_504 = vector.load %arg3[%swap3A_502, %swap3A_503] : memref<32x128xf32, #tpu.memory_space<vmem>>, vector<1x128xf32>
        tpu.vector_store %arg3[%swap3A_502, %swap3A_503], %select_n3A_501 {strides = array<i32>} : memref<32x128xf32, #tpu.memory_space<vmem>>, vector<1x128xf32>,
        %mul3A_505 = arith.constant 8 : i32
        %mul3A_506 = arith.muli %while3A_243, %mul3A_505 : i32
        %add3A_507 = arith.constant 2 : i32
        %add3A_508 = arith.addi %mul3A_506, %add3A_507 : i32
        %get3A_509 = arith.constant 3 : index
        %get3A_510 = arith.constant 0 : index
        %get3A_511 = arith.constant 0 : index
        %get3A_512 = vector.load %arg4[%get3A_509, %get3A_510, %get3A_511] : memref<7x128x128xf32, #tpu.memory_space<vmem>>, vector<1x128x128xf32>
        %get3A_513 = vector.shape_cast %get3A_512 : vector<1x128x128xf32> to vector<128x128xf32>
        %get3A_514 = arith.constant 3 : index
        %get3A_515 = arith.index_cast %add3A_508 : i32 to index
        %get3A_516 = arith.constant 0 : index
        %get3A_517 = vector.load %arg0[%get3A_514, %get3A_515, %get3A_516] : memref<7x32x128xf32, #tpu.memory_space<vmem>>, vector<1x1x128xf32>
        %get3A_518 = vector.shape_cast %get3A_517 : vector<1x1x128xf32> to vector<1x128xf32>
        %min3A_519 = vector.broadcast %get3A_518 : vector<1x128xf32> to vector<128x128xf32>
        %min3A_520 = arith.minimumf %get3A_513, %min3A_519 : vector<128x128xf32>
        %get3A_521 = arith.constant 0 : index
        %get3A_522 = arith.constant 0 : index
        %get3A_523 = arith.constant 0 : index
        %get3A_524 = vector.load %arg4[%get3A_521, %get3A_522, %get3A_523] : memref<7x128x128xf32, #tpu.memory_space<vmem>>, vector<1x128x128xf32>
        %get3A_525 = vector.shape_cast %get3A_524 : vector<1x128x128xf32> to vector<128x128xf32>
        %get3A_526 = arith.constant 0 : index
        %get3A_527 = arith.index_cast %add3A_508 : i32 to index
        %get3A_528 = arith.constant 0 : index
        %get3A_529 = vector.load %arg0[%get3A_526, %get3A_527, %get3A_528] : memref<7x32x128xf32, #tpu.memory_space<vmem>>, vector<1x1x128xf32>
        %get3A_530 = vector.shape_cast %get3A_529 : vector<1x1x128xf32> to vector<1x128xf32>
        %max3A_531 = vector.broadcast %get3A_530 : vector<1x128xf32> to vector<128x128xf32>
        %max3A_532 = arith.maximumf %get3A_525, %max3A_531 : vector<128x128xf32>
        %sub3A_533 = arith.subf %min3A_520, %max3A_532 : vector<128x128xf32>
        %max3A_534 = arith.constant 0.000000e+00 : f32
        %max3A_535 = vector.broadcast %max3A_534 : f32 to vector<128x128xf32>
        %max3A_536 = arith.maximumf %sub3A_533, %max3A_535 : vector<128x128xf32>
        %get3A_537 = arith.constant 4 : index
        %get3A_538 = arith.constant 0 : index
        %get3A_539 = arith.constant 0 : index
        %get3A_540 = vector.load %arg4[%get3A_537, %get3A_538, %get3A_539] : memref<7x128x128xf32, #tpu.memory_space<vmem>>, vector<1x128x128xf32>
        %get3A_541 = vector.shape_cast %get3A_540 : vector<1x128x128xf32> to vector<128x128xf32>
        %get3A_542 = arith.constant 4 : index
        %get3A_543 = arith.index_cast %add3A_508 : i32 to index
        %get3A_544 = arith.constant 0 : index
        %get3A_545 = vector.load %arg0[%get3A_542, %get3A_543, %get3A_544] : memref<7x32x128xf32, #tpu.memory_space<vmem>>, vector<1x1x128xf32>
        %get3A_546 = vector.shape_cast %get3A_545 : vector<1x1x128xf32> to vector<1x128xf32>
        %min3A_547 = vector.broadcast %get3A_546 : vector<1x128xf32> to vector<128x128xf32>
        %min3A_548 = arith.minimumf %get3A_541, %min3A_547 : vector<128x128xf32>
        %get3A_549 = arith.constant 1 : index
        %get3A_550 = arith.constant 0 : index
        %get3A_551 = arith.constant 0 : index
        %get3A_552 = vector.load %arg4[%get3A_549, %get3A_550, %get3A_551] : memref<7x128x128xf32, #tpu.memory_space<vmem>>, vector<1x128x128xf32>
        %get3A_553 = vector.shape_cast %get3A_552 : vector<1x128x128xf32> to vector<128x128xf32>
        %get3A_554 = arith.constant 1 : index
        %get3A_555 = arith.index_cast %add3A_508 : i32 to index
        %get3A_556 = arith.constant 0 : index
        %get3A_557 = vector.load %arg0[%get3A_554, %get3A_555, %get3A_556] : memref<7x32x128xf32, #tpu.memory_space<vmem>>, vector<1x1x128xf32>
        %get3A_558 = vector.shape_cast %get3A_557 : vector<1x1x128xf32> to vector<1x128xf32>
        %max3A_559 = vector.broadcast %get3A_558 : vector<1x128xf32> to vector<128x128xf32>
        %max3A_560 = arith.maximumf %get3A_553, %max3A_559 : vector<128x128xf32>
        %sub3A_561 = arith.subf %min3A_548, %max3A_560 : vector<128x128xf32>
        %max3A_562 = arith.constant 0.000000e+00 : f32
        %max3A_563 = vector.broadcast %max3A_562 : f32 to vector<128x128xf32>
        %max3A_564 = arith.maximumf %sub3A_561, %max3A_563 : vector<128x128xf32>
        %get3A_565 = arith.constant 5 : index
        %get3A_566 = arith.constant 0 : index
        %get3A_567 = arith.constant 0 : index
        %get3A_568 = vector.load %arg4[%get3A_565, %get3A_566, %get3A_567] : memref<7x128x128xf32, #tpu.memory_space<vmem>>, vector<1x128x128xf32>
        %get3A_569 = vector.shape_cast %get3A_568 : vector<1x128x128xf32> to vector<128x128xf32>
        %get3A_570 = arith.constant 5 : index
        %get3A_571 = arith.index_cast %add3A_508 : i32 to index
        %get3A_572 = arith.constant 0 : index
        %get3A_573 = vector.load %arg0[%get3A_570, %get3A_571, %get3A_572] : memref<7x32x128xf32, #tpu.memory_space<vmem>>, vector<1x1x128xf32>
        %get3A_574 = vector.shape_cast %get3A_573 : vector<1x1x128xf32> to vector<1x128xf32>
        %min3A_575 = vector.broadcast %get3A_574 : vector<1x128xf32> to vector<128x128xf32>
        %min3A_576 = arith.minimumf %get3A_569, %min3A_575 : vector<128x128xf32>
        %get3A_577 = arith.constant 2 : index
        %get3A_578 = arith.constant 0 : index
        %get3A_579 = arith.constant 0 : index
        %get3A_580 = vector.load %arg4[%get3A_577, %get3A_578, %get3A_579] : memref<7x128x128xf32, #tpu.memory_space<vmem>>, vector<1x128x128xf32>
        %get3A_581 = vector.shape_cast %get3A_580 : vector<1x128x128xf32> to vector<128x128xf32>
        %get3A_582 = arith.constant 2 : index
        %get3A_583 = arith.index_cast %add3A_508 : i32 to index
        %get3A_584 = arith.constant 0 : index
        %get3A_585 = vector.load %arg0[%get3A_582, %get3A_583, %get3A_584] : memref<7x32x128xf32, #tpu.memory_space<vmem>>, vector<1x1x128xf32>
        %get3A_586 = vector.shape_cast %get3A_585 : vector<1x1x128xf32> to vector<1x128xf32>
        %max3A_587 = vector.broadcast %get3A_586 : vector<1x128xf32> to vector<128x128xf32>
        %max3A_588 = arith.maximumf %get3A_581, %max3A_587 : vector<128x128xf32>
        %sub3A_589 = arith.subf %min3A_576, %max3A_588 : vector<128x128xf32>
        %max3A_590 = arith.constant 0.000000e+00 : f32
        %max3A_591 = vector.broadcast %max3A_590 : f32 to vector<128x128xf32>
        %max3A_592 = arith.maximumf %sub3A_589, %max3A_591 : vector<128x128xf32>
        %mul3A_593 = arith.mulf %max3A_536, %max3A_564 : vector<128x128xf32>
        %mul3A_594 = arith.mulf %mul3A_593, %max3A_592 : vector<128x128xf32>
        %get3A_595 = arith.constant 6 : index
        %get3A_596 = arith.constant 0 : index
        %get3A_597 = arith.constant 0 : index
        %get3A_598 = vector.load %arg4[%get3A_595, %get3A_596, %get3A_597] : memref<7x128x128xf32, #tpu.memory_space<vmem>>, vector<1x128x128xf32>
        %get3A_599 = vector.shape_cast %get3A_598 : vector<1x128x128xf32> to vector<128x128xf32>
        %get3A_600 = arith.constant 6 : index
        %get3A_601 = arith.index_cast %add3A_508 : i32 to index
        %get3A_602 = arith.constant 0 : index
        %get3A_603 = vector.load %arg0[%get3A_600, %get3A_601, %get3A_602] : memref<7x32x128xf32, #tpu.memory_space<vmem>>, vector<1x1x128xf32>
        %get3A_604 = vector.shape_cast %get3A_603 : vector<1x1x128xf32> to vector<1x128xf32>
        %add3A_605 = vector.broadcast %get3A_604 : vector<1x128xf32> to vector<128x128xf32>
        %add3A_606 = arith.addf %get3A_599, %add3A_605 : vector<128x128xf32>
        %sub3A_607 = arith.subf %add3A_606, %mul3A_594 : vector<128x128xf32>
        %max3A_608 = arith.constant 9.99999997E-7 : f32
        %max3A_609 = vector.broadcast %max3A_608 : f32 to vector<128x128xf32>
        %max3A_610 = arith.maximumf %sub3A_607, %max3A_609 : vector<128x128xf32>
        %mul3A_611 = arith.constant 1.000000e-01 : f32
        %mul3A_612 = vector.broadcast %mul3A_611 : f32 to vector<128x128xf32>
        %mul3A_613 = arith.mulf %mul3A_612, %max3A_610 : vector<128x128xf32>
        %gt3A_614 = arith.cmpf ogt, %mul3A_594, %mul3A_613 : vector<128x128xf32>
        %convert_element_type3A_615 = arith.extui %gt3A_614 : vector<128x128xi1> to vector<128x128xi32>
        %convert_element_type3A_616 = arith.sitofp %convert_element_type3A_615 : vector<128x128xi32> to vector<128x128xf32>
        %dot_general3A_617 = arith.constant dense<0.000000e+00> : vector<1x128xf32>
        %dot_general3A_618 = tpu.matmul %while3A_208#0, %convert_element_type3A_616, %dot_general3A_617 {dimension_numbers = #tpu.dot_dimension_numbers<[1], [0], [0], [1], [0, 0, 1, 1], [], []>, transpose_lhs_hint = false} : vector<1x128xf32>, vector<128x128xf32>, vector<1x128xf32> -> vector<1x128xf32>
        %gt3A_619 = arith.cmpi sgt, %add3A_508, %scan3A_9 : i32
        %convert_element_type3A_620 = arith.extui %gt3A_619 : i1 to i32
        %convert_element_type3A_621 = arith.sitofp %convert_element_type3A_620 : i32 to f32
        %get3A_622 = arith.index_cast %add3A_508 : i32 to index
        %get3A_623 = arith.constant 0 : index
        %get3A_624 = vector.load %arg3[%get3A_622, %get3A_623] : memref<32x128xf32, #tpu.memory_space<vmem>>, vector<1x128xf32>
        %mul3A_625 = vector.broadcast %convert_element_type3A_621 : f32 to vector<1x128xf32>
        %mul3A_626 = arith.mulf %dot_general3A_618, %mul3A_625 : vector<1x128xf32>
        %gt3A_627 = arith.constant 0.000000e+00 : f32
        %gt3A_628 = vector.broadcast %gt3A_627 : f32 to vector<1x128xf32>
        %gt3A_629 = arith.cmpf ogt, %mul3A_626, %gt3A_628 : vector<1x128xf32>
        %jit3A_630 = arith.constant 0.000000e+00 : f32
        %broadcast_in_dim3A_631 = vector.broadcast %jit3A_630 : f32 to vector<1x128xf32>
        %select_n3A_632 = arith.select %gt3A_629, %broadcast_in_dim3A_631, %get3A_624 : vector<1x128xi1>, vector<1x128xf32>
        %swap3A_633 = arith.index_cast %add3A_508 : i32 to index
        %swap3A_634 = arith.constant 0 : index
        %swap3A_635 = vector.load %arg3[%swap3A_633, %swap3A_634] : memref<32x128xf32, #tpu.memory_space<vmem>>, vector<1x128xf32>
        tpu.vector_store %arg3[%swap3A_633, %swap3A_634], %select_n3A_632 {strides = array<i32>} : memref<32x128xf32, #tpu.memory_space<vmem>>, vector<1x128xf32>,
        %mul3A_636 = arith.constant 8 : i32
        %mul3A_637 = arith.muli %while3A_243, %mul3A_636 : i32
        %add3A_638 = arith.constant 3 : i32
        %add3A_639 = arith.addi %mul3A_637, %add3A_638 : i32
        %get3A_640 = arith.constant 3 : index
        %get3A_641 = arith.constant 0 : index
        %get3A_642 = arith.constant 0 : index
        %get3A_643 = vector.load %arg4[%get3A_640, %get3A_641, %get3A_642] : memref<7x128x128xf32, #tpu.memory_space<vmem>>, vector<1x128x128xf32>
        %get3A_644 = vector.shape_cast %get3A_643 : vector<1x128x128xf32> to vector<128x128xf32>
        %get3A_645 = arith.constant 3 : index
        %get3A_646 = arith.index_cast %add3A_639 : i32 to index
        %get3A_647 = arith.constant 0 : index
        %get3A_648 = vector.load %arg0[%get3A_645, %get3A_646, %get3A_647] : memref<7x32x128xf32, #tpu.memory_space<vmem>>, vector<1x1x128xf32>
        %get3A_649 = vector.shape_cast %get3A_648 : vector<1x1x128xf32> to vector<1x128xf32>
        %min3A_650 = vector.broadcast %get3A_649 : vector<1x128xf32> to vector<128x128xf32>
        %min3A_651 = arith.minimumf %get3A_644, %min3A_650 : vector<128x128xf32>
        %get3A_652 = arith.constant 0 : index
        %get3A_653 = arith.constant 0 : index
        %get3A_654 = arith.constant 0 : index
        %get3A_655 = vector.load %arg4[%get3A_652, %get3A_653, %get3A_654] : memref<7x128x128xf32, #tpu.memory_space<vmem>>, vector<1x128x128xf32>
        %get3A_656 = vector.shape_cast %get3A_655 : vector<1x128x128xf32> to vector<128x128xf32>
        %get3A_657 = arith.constant 0 : index
        %get3A_658 = arith.index_cast %add3A_639 : i32 to index
        %get3A_659 = arith.constant 0 : index
        %get3A_660 = vector.load %arg0[%get3A_657, %get3A_658, %get3A_659] : memref<7x32x128xf32, #tpu.memory_space<vmem>>, vector<1x1x128xf32>
        %get3A_661 = vector.shape_cast %get3A_660 : vector<1x1x128xf32> to vector<1x128xf32>
        %max3A_662 = vector.broadcast %get3A_661 : vector<1x128xf32> to vector<128x128xf32>
        %max3A_663 = arith.maximumf %get3A_656, %max3A_662 : vector<128x128xf32>
        %sub3A_664 = arith.subf %min3A_651, %max3A_663 : vector<128x128xf32>
        %max3A_665 = arith.constant 0.000000e+00 : f32
        %max3A_666 = vector.broadcast %max3A_665 : f32 to vector<128x128xf32>
        %max3A_667 = arith.maximumf %sub3A_664, %max3A_666 : vector<128x128xf32>
        %get3A_668 = arith.constant 4 : index
        %get3A_669 = arith.constant 0 : index
        %get3A_670 = arith.constant 0 : index
        %get3A_671 = vector.load %arg4[%get3A_668, %get3A_669, %get3A_670] : memref<7x128x128xf32, #tpu.memory_space<vmem>>, vector<1x128x128xf32>
        %get3A_672 = vector.shape_cast %get3A_671 : vector<1x128x128xf32> to vector<128x128xf32>
        %get3A_673 = arith.constant 4 : index
        %get3A_674 = arith.index_cast %add3A_639 : i32 to index
        %get3A_675 = arith.constant 0 : index
        %get3A_676 = vector.load %arg0[%get3A_673, %get3A_674, %get3A_675] : memref<7x32x128xf32, #tpu.memory_space<vmem>>, vector<1x1x128xf32>
        %get3A_677 = vector.shape_cast %get3A_676 : vector<1x1x128xf32> to vector<1x128xf32>
        %min3A_678 = vector.broadcast %get3A_677 : vector<1x128xf32> to vector<128x128xf32>
        %min3A_679 = arith.minimumf %get3A_672, %min3A_678 : vector<128x128xf32>
        %get3A_680 = arith.constant 1 : index
        %get3A_681 = arith.constant 0 : index
        %get3A_682 = arith.constant 0 : index
        %get3A_683 = vector.load %arg4[%get3A_680, %get3A_681, %get3A_682] : memref<7x128x128xf32, #tpu.memory_space<vmem>>, vector<1x128x128xf32>
        %get3A_684 = vector.shape_cast %get3A_683 : vector<1x128x128xf32> to vector<128x128xf32>
        %get3A_685 = arith.constant 1 : index
        %get3A_686 = arith.index_cast %add3A_639 : i32 to index
        %get3A_687 = arith.constant 0 : index
        %get3A_688 = vector.load %arg0[%get3A_685, %get3A_686, %get3A_687] : memref<7x32x128xf32, #tpu.memory_space<vmem>>, vector<1x1x128xf32>
        %get3A_689 = vector.shape_cast %get3A_688 : vector<1x1x128xf32> to vector<1x128xf32>
        %max3A_690 = vector.broadcast %get3A_689 : vector<1x128xf32> to vector<128x128xf32>
        %max3A_691 = arith.maximumf %get3A_684, %max3A_690 : vector<128x128xf32>
        %sub3A_692 = arith.subf %min3A_679, %max3A_691 : vector<128x128xf32>
        %max3A_693 = arith.constant 0.000000e+00 : f32
        %max3A_694 = vector.broadcast %max3A_693 : f32 to vector<128x128xf32>
        %max3A_695 = arith.maximumf %sub3A_692, %max3A_694 : vector<128x128xf32>
        %get3A_696 = arith.constant 5 : index
        %get3A_697 = arith.constant 0 : index
        %get3A_698 = arith.constant 0 : index
        %get3A_699 = vector.load %arg4[%get3A_696, %get3A_697, %get3A_698] : memref<7x128x128xf32, #tpu.memory_space<vmem>>, vector<1x128x128xf32>
        %get3A_700 = vector.shape_cast %get3A_699 : vector<1x128x128xf32> to vector<128x128xf32>
        %get3A_701 = arith.constant 5 : index
        %get3A_702 = arith.index_cast %add3A_639 : i32 to index
        %get3A_703 = arith.constant 0 : index
        %get3A_704 = vector.load %arg0[%get3A_701, %get3A_702, %get3A_703] : memref<7x32x128xf32, #tpu.memory_space<vmem>>, vector<1x1x128xf32>
        %get3A_705 = vector.shape_cast %get3A_704 : vector<1x1x128xf32> to vector<1x128xf32>
        %min3A_706 = vector.broadcast %get3A_705 : vector<1x128xf32> to vector<128x128xf32>
        %min3A_707 = arith.minimumf %get3A_700, %min3A_706 : vector<128x128xf32>
        %get3A_708 = arith.constant 2 : index
        %get3A_709 = arith.constant 0 : index
        %get3A_710 = arith.constant 0 : index
        %get3A_711 = vector.load %arg4[%get3A_708, %get3A_709, %get3A_710] : memref<7x128x128xf32, #tpu.memory_space<vmem>>, vector<1x128x128xf32>
        %get3A_712 = vector.shape_cast %get3A_711 : vector<1x128x128xf32> to vector<128x128xf32>
        %get3A_713 = arith.constant 2 : index
        %get3A_714 = arith.index_cast %add3A_639 : i32 to index
        %get3A_715 = arith.constant 0 : index
        %get3A_716 = vector.load %arg0[%get3A_713, %get3A_714, %get3A_715] : memref<7x32x128xf32, #tpu.memory_space<vmem>>, vector<1x1x128xf32>
        %get3A_717 = vector.shape_cast %get3A_716 : vector<1x1x128xf32> to vector<1x128xf32>
        %max3A_718 = vector.broadcast %get3A_717 : vector<1x128xf32> to vector<128x128xf32>
        %max3A_719 = arith.maximumf %get3A_712, %max3A_718 : vector<128x128xf32>
        %sub3A_720 = arith.subf %min3A_707, %max3A_719 : vector<128x128xf32>
        %max3A_721 = arith.constant 0.000000e+00 : f32
        %max3A_722 = vector.broadcast %max3A_721 : f32 to vector<128x128xf32>
        %max3A_723 = arith.maximumf %sub3A_720, %max3A_722 : vector<128x128xf32>
        %mul3A_724 = arith.mulf %max3A_667, %max3A_695 : vector<128x128xf32>
        %mul3A_725 = arith.mulf %mul3A_724, %max3A_723 : vector<128x128xf32>
        %get3A_726 = arith.constant 6 : index
        %get3A_727 = arith.constant 0 : index
        %get3A_728 = arith.constant 0 : index
        %get3A_729 = vector.load %arg4[%get3A_726, %get3A_727, %get3A_728] : memref<7x128x128xf32, #tpu.memory_space<vmem>>, vector<1x128x128xf32>
        %get3A_730 = vector.shape_cast %get3A_729 : vector<1x128x128xf32> to vector<128x128xf32>
        %get3A_731 = arith.constant 6 : index
        %get3A_732 = arith.index_cast %add3A_639 : i32 to index
        %get3A_733 = arith.constant 0 : index
        %get3A_734 = vector.load %arg0[%get3A_731, %get3A_732, %get3A_733] : memref<7x32x128xf32, #tpu.memory_space<vmem>>, vector<1x1x128xf32>
        %get3A_735 = vector.shape_cast %get3A_734 : vector<1x1x128xf32> to vector<1x128xf32>
        %add3A_736 = vector.broadcast %get3A_735 : vector<1x128xf32> to vector<128x128xf32>
        %add3A_737 = arith.addf %get3A_730, %add3A_736 : vector<128x128xf32>
        %sub3A_738 = arith.subf %add3A_737, %mul3A_725 : vector<128x128xf32>
        %max3A_739 = arith.constant 9.99999997E-7 : f32
        %max3A_740 = vector.broadcast %max3A_739 : f32 to vector<128x128xf32>
        %max3A_741 = arith.maximumf %sub3A_738, %max3A_740 : vector<128x128xf32>
        %mul3A_742 = arith.constant 1.000000e-01 : f32
        %mul3A_743 = vector.broadcast %mul3A_742 : f32 to vector<128x128xf32>
        %mul3A_744 = arith.mulf %mul3A_743, %max3A_741 : vector<128x128xf32>
        %gt3A_745 = arith.cmpf ogt, %mul3A_725, %mul3A_744 : vector<128x128xf32>
        %convert_element_type3A_746 = arith.extui %gt3A_745 : vector<128x128xi1> to vector<128x128xi32>
        %convert_element_type3A_747 = arith.sitofp %convert_element_type3A_746 : vector<128x128xi32> to vector<128x128xf32>
        %dot_general3A_748 = arith.constant dense<0.000000e+00> : vector<1x128xf32>
        %dot_general3A_749 = tpu.matmul %while3A_208#0, %convert_element_type3A_747, %dot_general3A_748 {dimension_numbers = #tpu.dot_dimension_numbers<[1], [0], [0], [1], [0, 0, 1, 1], [], []>, transpose_lhs_hint = false} : vector<1x128xf32>, vector<128x128xf32>, vector<1x128xf32> -> vector<1x128xf32>
        %gt3A_750 = arith.cmpi sgt, %add3A_639, %scan3A_9 : i32
        %convert_element_type3A_751 = arith.extui %gt3A_750 : i1 to i32
        %convert_element_type3A_752 = arith.sitofp %convert_element_type3A_751 : i32 to f32
        %get3A_753 = arith.index_cast %add3A_639 : i32 to index
        %get3A_754 = arith.constant 0 : index
        %get3A_755 = vector.load %arg3[%get3A_753, %get3A_754] : memref<32x128xf32, #tpu.memory_space<vmem>>, vector<1x128xf32>
        %mul3A_756 = vector.broadcast %convert_element_type3A_752 : f32 to vector<1x128xf32>
        %mul3A_757 = arith.mulf %dot_general3A_749, %mul3A_756 : vector<1x128xf32>
        %gt3A_758 = arith.constant 0.000000e+00 : f32
        %gt3A_759 = vector.broadcast %gt3A_758 : f32 to vector<1x128xf32>
        %gt3A_760 = arith.cmpf ogt, %mul3A_757, %gt3A_759 : vector<1x128xf32>
        %jit3A_761 = arith.constant 0.000000e+00 : f32
        %broadcast_in_dim3A_762 = vector.broadcast %jit3A_761 : f32 to vector<1x128xf32>
        %select_n3A_763 = arith.select %gt3A_760, %broadcast_in_dim3A_762, %get3A_755 : vector<1x128xi1>, vector<1x128xf32>
        %swap3A_764 = arith.index_cast %add3A_639 : i32 to index
        %swap3A_765 = arith.constant 0 : index
        %swap3A_766 = vector.load %arg3[%swap3A_764, %swap3A_765] : memref<32x128xf32, #tpu.memory_space<vmem>>, vector<1x128xf32>
        tpu.vector_store %arg3[%swap3A_764, %swap3A_765], %select_n3A_763 {strides = array<i32>} : memref<32x128xf32, #tpu.memory_space<vmem>>, vector<1x128xf32>,
        %mul3A_767 = arith.constant 8 : i32
        %mul3A_768 = arith.muli %while3A_243, %mul3A_767 : i32
        %add3A_769 = arith.constant 4 : i32
        %add3A_770 = arith.addi %mul3A_768, %add3A_769 : i32
        %get3A_771 = arith.constant 3 : index
        %get3A_772 = arith.constant 0 : index
        %get3A_773 = arith.constant 0 : index
        %get3A_774 = vector.load %arg4[%get3A_771, %get3A_772, %get3A_773] : memref<7x128x128xf32, #tpu.memory_space<vmem>>, vector<1x128x128xf32>
        %get3A_775 = vector.shape_cast %get3A_774 : vector<1x128x128xf32> to vector<128x128xf32>
        %get3A_776 = arith.constant 3 : index
        %get3A_777 = arith.index_cast %add3A_770 : i32 to index
        %get3A_778 = arith.constant 0 : index
        %get3A_779 = vector.load %arg0[%get3A_776, %get3A_777, %get3A_778] : memref<7x32x128xf32, #tpu.memory_space<vmem>>, vector<1x1x128xf32>
        %get3A_780 = vector.shape_cast %get3A_779 : vector<1x1x128xf32> to vector<1x128xf32>
        %min3A_781 = vector.broadcast %get3A_780 : vector<1x128xf32> to vector<128x128xf32>
        %min3A_782 = arith.minimumf %get3A_775, %min3A_781 : vector<128x128xf32>
        %get3A_783 = arith.constant 0 : index
        %get3A_784 = arith.constant 0 : index
        %get3A_785 = arith.constant 0 : index
        %get3A_786 = vector.load %arg4[%get3A_783, %get3A_784, %get3A_785] : memref<7x128x128xf32, #tpu.memory_space<vmem>>, vector<1x128x128xf32>
        %get3A_787 = vector.shape_cast %get3A_786 : vector<1x128x128xf32> to vector<128x128xf32>
        %get3A_788 = arith.constant 0 : index
        %get3A_789 = arith.index_cast %add3A_770 : i32 to index
        %get3A_790 = arith.constant 0 : index
        %get3A_791 = vector.load %arg0[%get3A_788, %get3A_789, %get3A_790] : memref<7x32x128xf32, #tpu.memory_space<vmem>>, vector<1x1x128xf32>
        %get3A_792 = vector.shape_cast %get3A_791 : vector<1x1x128xf32> to vector<1x128xf32>
        %max3A_793 = vector.broadcast %get3A_792 : vector<1x128xf32> to vector<128x128xf32>
        %max3A_794 = arith.maximumf %get3A_787, %max3A_793 : vector<128x128xf32>
        %sub3A_795 = arith.subf %min3A_782, %max3A_794 : vector<128x128xf32>
        %max3A_796 = arith.constant 0.000000e+00 : f32
        %max3A_797 = vector.broadcast %max3A_796 : f32 to vector<128x128xf32>
        %max3A_798 = arith.maximumf %sub3A_795, %max3A_797 : vector<128x128xf32>
        %get3A_799 = arith.constant 4 : index
        %get3A_800 = arith.constant 0 : index
        %get3A_801 = arith.constant 0 : index
        %get3A_802 = vector.load %arg4[%get3A_799, %get3A_800, %get3A_801] : memref<7x128x128xf32, #tpu.memory_space<vmem>>, vector<1x128x128xf32>
        %get3A_803 = vector.shape_cast %get3A_802 : vector<1x128x128xf32> to vector<128x128xf32>
        %get3A_804 = arith.constant 4 : index
        %get3A_805 = arith.index_cast %add3A_770 : i32 to index
        %get3A_806 = arith.constant 0 : index
        %get3A_807 = vector.load %arg0[%get3A_804, %get3A_805, %get3A_806] : memref<7x32x128xf32, #tpu.memory_space<vmem>>, vector<1x1x128xf32>
        %get3A_808 = vector.shape_cast %get3A_807 : vector<1x1x128xf32> to vector<1x128xf32>
        %min3A_809 = vector.broadcast %get3A_808 : vector<1x128xf32> to vector<128x128xf32>
        %min3A_810 = arith.minimumf %get3A_803, %min3A_809 : vector<128x128xf32>
        %get3A_811 = arith.constant 1 : index
        %get3A_812 = arith.constant 0 : index
        %get3A_813 = arith.constant 0 : index
        %get3A_814 = vector.load %arg4[%get3A_811, %get3A_812, %get3A_813] : memref<7x128x128xf32, #tpu.memory_space<vmem>>, vector<1x128x128xf32>
        %get3A_815 = vector.shape_cast %get3A_814 : vector<1x128x128xf32> to vector<128x128xf32>
        %get3A_816 = arith.constant 1 : index
        %get3A_817 = arith.index_cast %add3A_770 : i32 to index
        %get3A_818 = arith.constant 0 : index
        %get3A_819 = vector.load %arg0[%get3A_816, %get3A_817, %get3A_818] : memref<7x32x128xf32, #tpu.memory_space<vmem>>, vector<1x1x128xf32>
        %get3A_820 = vector.shape_cast %get3A_819 : vector<1x1x128xf32> to vector<1x128xf32>
        %max3A_821 = vector.broadcast %get3A_820 : vector<1x128xf32> to vector<128x128xf32>
        %max3A_822 = arith.maximumf %get3A_815, %max3A_821 : vector<128x128xf32>
        %sub3A_823 = arith.subf %min3A_810, %max3A_822 : vector<128x128xf32>
        %max3A_824 = arith.constant 0.000000e+00 : f32
        %max3A_825 = vector.broadcast %max3A_824 : f32 to vector<128x128xf32>
        %max3A_826 = arith.maximumf %sub3A_823, %max3A_825 : vector<128x128xf32>
        %get3A_827 = arith.constant 5 : index
        %get3A_828 = arith.constant 0 : index
        %get3A_829 = arith.constant 0 : index
        %get3A_830 = vector.load %arg4[%get3A_827, %get3A_828, %get3A_829] : memref<7x128x128xf32, #tpu.memory_space<vmem>>, vector<1x128x128xf32>
        %get3A_831 = vector.shape_cast %get3A_830 : vector<1x128x128xf32> to vector<128x128xf32>
        %get3A_832 = arith.constant 5 : index
        %get3A_833 = arith.index_cast %add3A_770 : i32 to index
        %get3A_834 = arith.constant 0 : index
        %get3A_835 = vector.load %arg0[%get3A_832, %get3A_833, %get3A_834] : memref<7x32x128xf32, #tpu.memory_space<vmem>>, vector<1x1x128xf32>
        %get3A_836 = vector.shape_cast %get3A_835 : vector<1x1x128xf32> to vector<1x128xf32>
        %min3A_837 = vector.broadcast %get3A_836 : vector<1x128xf32> to vector<128x128xf32>
        %min3A_838 = arith.minimumf %get3A_831, %min3A_837 : vector<128x128xf32>
        %get3A_839 = arith.constant 2 : index
        %get3A_840 = arith.constant 0 : index
        %get3A_841 = arith.constant 0 : index
        %get3A_842 = vector.load %arg4[%get3A_839, %get3A_840, %get3A_841] : memref<7x128x128xf32, #tpu.memory_space<vmem>>, vector<1x128x128xf32>
        %get3A_843 = vector.shape_cast %get3A_842 : vector<1x128x128xf32> to vector<128x128xf32>
        %get3A_844 = arith.constant 2 : index
        %get3A_845 = arith.index_cast %add3A_770 : i32 to index
        %get3A_846 = arith.constant 0 : index
        %get3A_847 = vector.load %arg0[%get3A_844, %get3A_845, %get3A_846] : memref<7x32x128xf32, #tpu.memory_space<vmem>>, vector<1x1x128xf32>
        %get3A_848 = vector.shape_cast %get3A_847 : vector<1x1x128xf32> to vector<1x128xf32>
        %max3A_849 = vector.broadcast %get3A_848 : vector<1x128xf32> to vector<128x128xf32>
        %max3A_850 = arith.maximumf %get3A_843, %max3A_849 : vector<128x128xf32>
        %sub3A_851 = arith.subf %min3A_838, %max3A_850 : vector<128x128xf32>
        %max3A_852 = arith.constant 0.000000e+00 : f32
        %max3A_853 = vector.broadcast %max3A_852 : f32 to vector<128x128xf32>
        %max3A_854 = arith.maximumf %sub3A_851, %max3A_853 : vector<128x128xf32>
        %mul3A_855 = arith.mulf %max3A_798, %max3A_826 : vector<128x128xf32>
        %mul3A_856 = arith.mulf %mul3A_855, %max3A_854 : vector<128x128xf32>
        %get3A_857 = arith.constant 6 : index
        %get3A_858 = arith.constant 0 : index
        %get3A_859 = arith.constant 0 : index
        %get3A_860 = vector.load %arg4[%get3A_857, %get3A_858, %get3A_859] : memref<7x128x128xf32, #tpu.memory_space<vmem>>, vector<1x128x128xf32>
        %get3A_861 = vector.shape_cast %get3A_860 : vector<1x128x128xf32> to vector<128x128xf32>
        %get3A_862 = arith.constant 6 : index
        %get3A_863 = arith.index_cast %add3A_770 : i32 to index
        %get3A_864 = arith.constant 0 : index
        %get3A_865 = vector.load %arg0[%get3A_862, %get3A_863, %get3A_864] : memref<7x32x128xf32, #tpu.memory_space<vmem>>, vector<1x1x128xf32>
        %get3A_866 = vector.shape_cast %get3A_865 : vector<1x1x128xf32> to vector<1x128xf32>
        %add3A_867 = vector.broadcast %get3A_866 : vector<1x128xf32> to vector<128x128xf32>
        %add3A_868 = arith.addf %get3A_861, %add3A_867 : vector<128x128xf32>
        %sub3A_869 = arith.subf %add3A_868, %mul3A_856 : vector<128x128xf32>
        %max3A_870 = arith.constant 9.99999997E-7 : f32
        %max3A_871 = vector.broadcast %max3A_870 : f32 to vector<128x128xf32>
        %max3A_872 = arith.maximumf %sub3A_869, %max3A_871 : vector<128x128xf32>
        %mul3A_873 = arith.constant 1.000000e-01 : f32
        %mul3A_874 = vector.broadcast %mul3A_873 : f32 to vector<128x128xf32>
        %mul3A_875 = arith.mulf %mul3A_874, %max3A_872 : vector<128x128xf32>
        %gt3A_876 = arith.cmpf ogt, %mul3A_856, %mul3A_875 : vector<128x128xf32>
        %convert_element_type3A_877 = arith.extui %gt3A_876 : vector<128x128xi1> to vector<128x128xi32>
        %convert_element_type3A_878 = arith.sitofp %convert_element_type3A_877 : vector<128x128xi32> to vector<128x128xf32>
        %dot_general3A_879 = arith.constant dense<0.000000e+00> : vector<1x128xf32>
        %dot_general3A_880 = tpu.matmul %while3A_208#0, %convert_element_type3A_878, %dot_general3A_879 {dimension_numbers = #tpu.dot_dimension_numbers<[1], [0], [0], [1], [0, 0, 1, 1], [], []>, transpose_lhs_hint = false} : vector<1x128xf32>, vector<128x128xf32>, vector<1x128xf32> -> vector<1x128xf32>
        %gt3A_881 = arith.cmpi sgt, %add3A_770, %scan3A_9 : i32
        %convert_element_type3A_882 = arith.extui %gt3A_881 : i1 to i32
        %convert_element_type3A_883 = arith.sitofp %convert_element_type3A_882 : i32 to f32
        %get3A_884 = arith.index_cast %add3A_770 : i32 to index
        %get3A_885 = arith.constant 0 : index
        %get3A_886 = vector.load %arg3[%get3A_884, %get3A_885] : memref<32x128xf32, #tpu.memory_space<vmem>>, vector<1x128xf32>
        %mul3A_887 = vector.broadcast %convert_element_type3A_883 : f32 to vector<1x128xf32>
        %mul3A_888 = arith.mulf %dot_general3A_880, %mul3A_887 : vector<1x128xf32>
        %gt3A_889 = arith.constant 0.000000e+00 : f32
        %gt3A_890 = vector.broadcast %gt3A_889 : f32 to vector<1x128xf32>
        %gt3A_891 = arith.cmpf ogt, %mul3A_888, %gt3A_890 : vector<1x128xf32>
        %jit3A_892 = arith.constant 0.000000e+00 : f32
        %broadcast_in_dim3A_893 = vector.broadcast %jit3A_892 : f32 to vector<1x128xf32>
        %select_n3A_894 = arith.select %gt3A_891, %broadcast_in_dim3A_893, %get3A_886 : vector<1x128xi1>, vector<1x128xf32>
        %swap3A_895 = arith.index_cast %add3A_770 : i32 to index
        %swap3A_896 = arith.constant 0 : index
        %swap3A_897 = vector.load %arg3[%swap3A_895, %swap3A_896] : memref<32x128xf32, #tpu.memory_space<vmem>>, vector<1x128xf32>
        tpu.vector_store %arg3[%swap3A_895, %swap3A_896], %select_n3A_894 {strides = array<i32>} : memref<32x128xf32, #tpu.memory_space<vmem>>, vector<1x128xf32>,
        %mul3A_898 = arith.constant 8 : i32
        %mul3A_899 = arith.muli %while3A_243, %mul3A_898 : i32
        %add3A_900 = arith.constant 5 : i32
        %add3A_901 = arith.addi %mul3A_899, %add3A_900 : i32
        %get3A_902 = arith.constant 3 : index
        %get3A_903 = arith.constant 0 : index
        %get3A_904 = arith.constant 0 : index
        %get3A_905 = vector.load %arg4[%get3A_902, %get3A_903, %get3A_904] : memref<7x128x128xf32, #tpu.memory_space<vmem>>, vector<1x128x128xf32>
        %get3A_906 = vector.shape_cast %get3A_905 : vector<1x128x128xf32> to vector<128x128xf32>
        %get3A_907 = arith.constant 3 : index
        %get3A_908 = arith.index_cast %add3A_901 : i32 to index
        %get3A_909 = arith.constant 0 : index
        %get3A_910 = vector.load %arg0[%get3A_907, %get3A_908, %get3A_909] : memref<7x32x128xf32, #tpu.memory_space<vmem>>, vector<1x1x128xf32>
        %get3A_911 = vector.shape_cast %get3A_910 : vector<1x1x128xf32> to vector<1x128xf32>
        %min3A_912 = vector.broadcast %get3A_911 : vector<1x128xf32> to vector<128x128xf32>
        %min3A_913 = arith.minimumf %get3A_906, %min3A_912 : vector<128x128xf32>
        %get3A_914 = arith.constant 0 : index
        %get3A_915 = arith.constant 0 : index
        %get3A_916 = arith.constant 0 : index
        %get3A_917 = vector.load %arg4[%get3A_914, %get3A_915, %get3A_916] : memref<7x128x128xf32, #tpu.memory_space<vmem>>, vector<1x128x128xf32>
        %get3A_918 = vector.shape_cast %get3A_917 : vector<1x128x128xf32> to vector<128x128xf32>
        %get3A_919 = arith.constant 0 : index
        %get3A_920 = arith.index_cast %add3A_901 : i32 to index
        %get3A_921 = arith.constant 0 : index
        %get3A_922 = vector.load %arg0[%get3A_919, %get3A_920, %get3A_921] : memref<7x32x128xf32, #tpu.memory_space<vmem>>, vector<1x1x128xf32>
        %get3A_923 = vector.shape_cast %get3A_922 : vector<1x1x128xf32> to vector<1x128xf32>
        %max3A_924 = vector.broadcast %get3A_923 : vector<1x128xf32> to vector<128x128xf32>
        %max3A_925 = arith.maximumf %get3A_918, %max3A_924 : vector<128x128xf32>
        %sub3A_926 = arith.subf %min3A_913, %max3A_925 : vector<128x128xf32>
        %max3A_927 = arith.constant 0.000000e+00 : f32
        %max3A_928 = vector.broadcast %max3A_927 : f32 to vector<128x128xf32>
        %max3A_929 = arith.maximumf %sub3A_926, %max3A_928 : vector<128x128xf32>
        %get3A_930 = arith.constant 4 : index
        %get3A_931 = arith.constant 0 : index
        %get3A_932 = arith.constant 0 : index
        %get3A_933 = vector.load %arg4[%get3A_930, %get3A_931, %get3A_932] : memref<7x128x128xf32, #tpu.memory_space<vmem>>, vector<1x128x128xf32>
        %get3A_934 = vector.shape_cast %get3A_933 : vector<1x128x128xf32> to vector<128x128xf32>
        %get3A_935 = arith.constant 4 : index
        %get3A_936 = arith.index_cast %add3A_901 : i32 to index
        %get3A_937 = arith.constant 0 : index
        %get3A_938 = vector.load %arg0[%get3A_935, %get3A_936, %get3A_937] : memref<7x32x128xf32, #tpu.memory_space<vmem>>, vector<1x1x128xf32>
        %get3A_939 = vector.shape_cast %get3A_938 : vector<1x1x128xf32> to vector<1x128xf32>
        %min3A_940 = vector.broadcast %get3A_939 : vector<1x128xf32> to vector<128x128xf32>
        %min3A_941 = arith.minimumf %get3A_934, %min3A_940 : vector<128x128xf32>
        %get3A_942 = arith.constant 1 : index
        %get3A_943 = arith.constant 0 : index
        %get3A_944 = arith.constant 0 : index
        %get3A_945 = vector.load %arg4[%get3A_942, %get3A_943, %get3A_944] : memref<7x128x128xf32, #tpu.memory_space<vmem>>, vector<1x128x128xf32>
        %get3A_946 = vector.shape_cast %get3A_945 : vector<1x128x128xf32> to vector<128x128xf32>
        %get3A_947 = arith.constant 1 : index
        %get3A_948 = arith.index_cast %add3A_901 : i32 to index
        %get3A_949 = arith.constant 0 : index
        %get3A_950 = vector.load %arg0[%get3A_947, %get3A_948, %get3A_949] : memref<7x32x128xf32, #tpu.memory_space<vmem>>, vector<1x1x128xf32>
        %get3A_951 = vector.shape_cast %get3A_950 : vector<1x1x128xf32> to vector<1x128xf32>
        %max3A_952 = vector.broadcast %get3A_951 : vector<1x128xf32> to vector<128x128xf32>
        %max3A_953 = arith.maximumf %get3A_946, %max3A_952 : vector<128x128xf32>
        %sub3A_954 = arith.subf %min3A_941, %max3A_953 : vector<128x128xf32>
        %max3A_955 = arith.constant 0.000000e+00 : f32
        %max3A_956 = vector.broadcast %max3A_955 : f32 to vector<128x128xf32>
        %max3A_957 = arith.maximumf %sub3A_954, %max3A_956 : vector<128x128xf32>
        %get3A_958 = arith.constant 5 : index
        %get3A_959 = arith.constant 0 : index
        %get3A_960 = arith.constant 0 : index
        %get3A_961 = vector.load %arg4[%get3A_958, %get3A_959, %get3A_960] : memref<7x128x128xf32, #tpu.memory_space<vmem>>, vector<1x128x128xf32>
        %get3A_962 = vector.shape_cast %get3A_961 : vector<1x128x128xf32> to vector<128x128xf32>
        %get3A_963 = arith.constant 5 : index
        %get3A_964 = arith.index_cast %add3A_901 : i32 to index
        %get3A_965 = arith.constant 0 : index
        %get3A_966 = vector.load %arg0[%get3A_963, %get3A_964, %get3A_965] : memref<7x32x128xf32, #tpu.memory_space<vmem>>, vector<1x1x128xf32>
        %get3A_967 = vector.shape_cast %get3A_966 : vector<1x1x128xf32> to vector<1x128xf32>
        %min3A_968 = vector.broadcast %get3A_967 : vector<1x128xf32> to vector<128x128xf32>
        %min3A_969 = arith.minimumf %get3A_962, %min3A_968 : vector<128x128xf32>
        %get3A_970 = arith.constant 2 : index
        %get3A_971 = arith.constant 0 : index
        %get3A_972 = arith.constant 0 : index
        %get3A_973 = vector.load %arg4[%get3A_970, %get3A_971, %get3A_972] : memref<7x128x128xf32, #tpu.memory_space<vmem>>, vector<1x128x128xf32>
        %get3A_974 = vector.shape_cast %get3A_973 : vector<1x128x128xf32> to vector<128x128xf32>
        %get3A_975 = arith.constant 2 : index
        %get3A_976 = arith.index_cast %add3A_901 : i32 to index
        %get3A_977 = arith.constant 0 : index
        %get3A_978 = vector.load %arg0[%get3A_975, %get3A_976, %get3A_977] : memref<7x32x128xf32, #tpu.memory_space<vmem>>, vector<1x1x128xf32>
        %get3A_979 = vector.shape_cast %get3A_978 : vector<1x1x128xf32> to vector<1x128xf32>
        %max3A_980 = vector.broadcast %get3A_979 : vector<1x128xf32> to vector<128x128xf32>
        %max3A_981 = arith.maximumf %get3A_974, %max3A_980 : vector<128x128xf32>
        %sub3A_982 = arith.subf %min3A_969, %max3A_981 : vector<128x128xf32>
        %max3A_983 = arith.constant 0.000000e+00 : f32
        %max3A_984 = vector.broadcast %max3A_983 : f32 to vector<128x128xf32>
        %max3A_985 = arith.maximumf %sub3A_982, %max3A_984 : vector<128x128xf32>
        %mul3A_986 = arith.mulf %max3A_929, %max3A_957 : vector<128x128xf32>
        %mul3A_987 = arith.mulf %mul3A_986, %max3A_985 : vector<128x128xf32>
        %get3A_988 = arith.constant 6 : index
        %get3A_989 = arith.constant 0 : index
        %get3A_990 = arith.constant 0 : index
        %get3A_991 = vector.load %arg4[%get3A_988, %get3A_989, %get3A_990] : memref<7x128x128xf32, #tpu.memory_space<vmem>>, vector<1x128x128xf32>
        %get3A_992 = vector.shape_cast %get3A_991 : vector<1x128x128xf32> to vector<128x128xf32>
        %get3A_993 = arith.constant 6 : index
        %get3A_994 = arith.index_cast %add3A_901 : i32 to index
        %get3A_995 = arith.constant 0 : index
        %get3A_996 = vector.load %arg0[%get3A_993, %get3A_994, %get3A_995] : memref<7x32x128xf32, #tpu.memory_space<vmem>>, vector<1x1x128xf32>
        %get3A_997 = vector.shape_cast %get3A_996 : vector<1x1x128xf32> to vector<1x128xf32>
        %add3A_998 = vector.broadcast %get3A_997 : vector<1x128xf32> to vector<128x128xf32>
        %add3A_999 = arith.addf %get3A_992, %add3A_998 : vector<128x128xf32>
        %sub3A_1000 = arith.subf %add3A_999, %mul3A_987 : vector<128x128xf32>
        %max3A_1001 = arith.constant 9.99999997E-7 : f32
        %max3A_1002 = vector.broadcast %max3A_1001 : f32 to vector<128x128xf32>
        %max3A_1003 = arith.maximumf %sub3A_1000, %max3A_1002 : vector<128x128xf32>
        %mul3A_1004 = arith.constant 1.000000e-01 : f32
        %mul3A_1005 = vector.broadcast %mul3A_1004 : f32 to vector<128x128xf32>
        %mul3A_1006 = arith.mulf %mul3A_1005, %max3A_1003 : vector<128x128xf32>
        %gt3A_1007 = arith.cmpf ogt, %mul3A_987, %mul3A_1006 : vector<128x128xf32>
        %convert_element_type3A_1008 = arith.extui %gt3A_1007 : vector<128x128xi1> to vector<128x128xi32>
        %convert_element_type3A_1009 = arith.sitofp %convert_element_type3A_1008 : vector<128x128xi32> to vector<128x128xf32>
        %dot_general3A_1010 = arith.constant dense<0.000000e+00> : vector<1x128xf32>
        %dot_general3A_1011 = tpu.matmul %while3A_208#0, %convert_element_type3A_1009, %dot_general3A_1010 {dimension_numbers = #tpu.dot_dimension_numbers<[1], [0], [0], [1], [0, 0, 1, 1], [], []>, transpose_lhs_hint = false} : vector<1x128xf32>, vector<128x128xf32>, vector<1x128xf32> -> vector<1x128xf32>
        %gt3A_1012 = arith.cmpi sgt, %add3A_901, %scan3A_9 : i32
        %convert_element_type3A_1013 = arith.extui %gt3A_1012 : i1 to i32
        %convert_element_type3A_1014 = arith.sitofp %convert_element_type3A_1013 : i32 to f32
        %get3A_1015 = arith.index_cast %add3A_901 : i32 to index
        %get3A_1016 = arith.constant 0 : index
        %get3A_1017 = vector.load %arg3[%get3A_1015, %get3A_1016] : memref<32x128xf32, #tpu.memory_space<vmem>>, vector<1x128xf32>
        %mul3A_1018 = vector.broadcast %convert_element_type3A_1014 : f32 to vector<1x128xf32>
        %mul3A_1019 = arith.mulf %dot_general3A_1011, %mul3A_1018 : vector<1x128xf32>
        %gt3A_1020 = arith.constant 0.000000e+00 : f32
        %gt3A_1021 = vector.broadcast %gt3A_1020 : f32 to vector<1x128xf32>
        %gt3A_1022 = arith.cmpf ogt, %mul3A_1019, %gt3A_1021 : vector<1x128xf32>
        %jit3A_1023 = arith.constant 0.000000e+00 : f32
        %broadcast_in_dim3A_1024 = vector.broadcast %jit3A_1023 : f32 to vector<1x128xf32>
        %select_n3A_1025 = arith.select %gt3A_1022, %broadcast_in_dim3A_1024, %get3A_1017 : vector<1x128xi1>, vector<1x128xf32>
        %swap3A_1026 = arith.index_cast %add3A_901 : i32 to index
        %swap3A_1027 = arith.constant 0 : index
        %swap3A_1028 = vector.load %arg3[%swap3A_1026, %swap3A_1027] : memref<32x128xf32, #tpu.memory_space<vmem>>, vector<1x128xf32>
        tpu.vector_store %arg3[%swap3A_1026, %swap3A_1027], %select_n3A_1025 {strides = array<i32>} : memref<32x128xf32, #tpu.memory_space<vmem>>, vector<1x128xf32>,
        %mul3A_1029 = arith.constant 8 : i32
        %mul3A_1030 = arith.muli %while3A_243, %mul3A_1029 : i32
        %add3A_1031 = arith.constant 6 : i32
        %add3A_1032 = arith.addi %mul3A_1030, %add3A_1031 : i32
        %get3A_1033 = arith.constant 3 : index
        %get3A_1034 = arith.constant 0 : index
        %get3A_1035 = arith.constant 0 : index
        %get3A_1036 = vector.load %arg4[%get3A_1033, %get3A_1034, %get3A_1035] : memref<7x128x128xf32, #tpu.memory_space<vmem>>, vector<1x128x128xf32>
        %get3A_1037 = vector.shape_cast %get3A_1036 : vector<1x128x128xf32> to vector<128x128xf32>
        %get3A_1038 = arith.constant 3 : index
        %get3A_1039 = arith.index_cast %add3A_1032 : i32 to index
        %get3A_1040 = arith.constant 0 : index
        %get3A_1041 = vector.load %arg0[%get3A_1038, %get3A_1039, %get3A_1040] : memref<7x32x128xf32, #tpu.memory_space<vmem>>, vector<1x1x128xf32>
        %get3A_1042 = vector.shape_cast %get3A_1041 : vector<1x1x128xf32> to vector<1x128xf32>
        %min3A_1043 = vector.broadcast %get3A_1042 : vector<1x128xf32> to vector<128x128xf32>
        %min3A_1044 = arith.minimumf %get3A_1037, %min3A_1043 : vector<128x128xf32>
        %get3A_1045 = arith.constant 0 : index
        %get3A_1046 = arith.constant 0 : index
        %get3A_1047 = arith.constant 0 : index
        %get3A_1048 = vector.load %arg4[%get3A_1045, %get3A_1046, %get3A_1047] : memref<7x128x128xf32, #tpu.memory_space<vmem>>, vector<1x128x128xf32>
        %get3A_1049 = vector.shape_cast %get3A_1048 : vector<1x128x128xf32> to vector<128x128xf32>
        %get3A_1050 = arith.constant 0 : index
        %get3A_1051 = arith.index_cast %add3A_1032 : i32 to index
        %get3A_1052 = arith.constant 0 : index
        %get3A_1053 = vector.load %arg0[%get3A_1050, %get3A_1051, %get3A_1052] : memref<7x32x128xf32, #tpu.memory_space<vmem>>, vector<1x1x128xf32>
        %get3A_1054 = vector.shape_cast %get3A_1053 : vector<1x1x128xf32> to vector<1x128xf32>
        %max3A_1055 = vector.broadcast %get3A_1054 : vector<1x128xf32> to vector<128x128xf32>
        %max3A_1056 = arith.maximumf %get3A_1049, %max3A_1055 : vector<128x128xf32>
        %sub3A_1057 = arith.subf %min3A_1044, %max3A_1056 : vector<128x128xf32>
        %max3A_1058 = arith.constant 0.000000e+00 : f32
        %max3A_1059 = vector.broadcast %max3A_1058 : f32 to vector<128x128xf32>
        %max3A_1060 = arith.maximumf %sub3A_1057, %max3A_1059 : vector<128x128xf32>
        %get3A_1061 = arith.constant 4 : index
        %get3A_1062 = arith.constant 0 : index
        %get3A_1063 = arith.constant 0 : index
        %get3A_1064 = vector.load %arg4[%get3A_1061, %get3A_1062, %get3A_1063] : memref<7x128x128xf32, #tpu.memory_space<vmem>>, vector<1x128x128xf32>
        %get3A_1065 = vector.shape_cast %get3A_1064 : vector<1x128x128xf32> to vector<128x128xf32>
        %get3A_1066 = arith.constant 4 : index
        %get3A_1067 = arith.index_cast %add3A_1032 : i32 to index
        %get3A_1068 = arith.constant 0 : index
        %get3A_1069 = vector.load %arg0[%get3A_1066, %get3A_1067, %get3A_1068] : memref<7x32x128xf32, #tpu.memory_space<vmem>>, vector<1x1x128xf32>
        %get3A_1070 = vector.shape_cast %get3A_1069 : vector<1x1x128xf32> to vector<1x128xf32>
        %min3A_1071 = vector.broadcast %get3A_1070 : vector<1x128xf32> to vector<128x128xf32>
        %min3A_1072 = arith.minimumf %get3A_1065, %min3A_1071 : vector<128x128xf32>
        %get3A_1073 = arith.constant 1 : index
        %get3A_1074 = arith.constant 0 : index
        %get3A_1075 = arith.constant 0 : index
        %get3A_1076 = vector.load %arg4[%get3A_1073, %get3A_1074, %get3A_1075] : memref<7x128x128xf32, #tpu.memory_space<vmem>>, vector<1x128x128xf32>
        %get3A_1077 = vector.shape_cast %get3A_1076 : vector<1x128x128xf32> to vector<128x128xf32>
        %get3A_1078 = arith.constant 1 : index
        %get3A_1079 = arith.index_cast %add3A_1032 : i32 to index
        %get3A_1080 = arith.constant 0 : index
        %get3A_1081 = vector.load %arg0[%get3A_1078, %get3A_1079, %get3A_1080] : memref<7x32x128xf32, #tpu.memory_space<vmem>>, vector<1x1x128xf32>
        %get3A_1082 = vector.shape_cast %get3A_1081 : vector<1x1x128xf32> to vector<1x128xf32>
        %max3A_1083 = vector.broadcast %get3A_1082 : vector<1x128xf32> to vector<128x128xf32>
        %max3A_1084 = arith.maximumf %get3A_1077, %max3A_1083 : vector<128x128xf32>
        %sub3A_1085 = arith.subf %min3A_1072, %max3A_1084 : vector<128x128xf32>
        %max3A_1086 = arith.constant 0.000000e+00 : f32
        %max3A_1087 = vector.broadcast %max3A_1086 : f32 to vector<128x128xf32>
        %max3A_1088 = arith.maximumf %sub3A_1085, %max3A_1087 : vector<128x128xf32>
        %get3A_1089 = arith.constant 5 : index
        %get3A_1090 = arith.constant 0 : index
        %get3A_1091 = arith.constant 0 : index
        %get3A_1092 = vector.load %arg4[%get3A_1089, %get3A_1090, %get3A_1091] : memref<7x128x128xf32, #tpu.memory_space<vmem>>, vector<1x128x128xf32>
        %get3A_1093 = vector.shape_cast %get3A_1092 : vector<1x128x128xf32> to vector<128x128xf32>
        %get3A_1094 = arith.constant 5 : index
        %get3A_1095 = arith.index_cast %add3A_1032 : i32 to index
        %get3A_1096 = arith.constant 0 : index
        %get3A_1097 = vector.load %arg0[%get3A_1094, %get3A_1095, %get3A_1096] : memref<7x32x128xf32, #tpu.memory_space<vmem>>, vector<1x1x128xf32>
        %get3A_1098 = vector.shape_cast %get3A_1097 : vector<1x1x128xf32> to vector<1x128xf32>
        %min3A_1099 = vector.broadcast %get3A_1098 : vector<1x128xf32> to vector<128x128xf32>
        %min3A_1100 = arith.minimumf %get3A_1093, %min3A_1099 : vector<128x128xf32>
        %get3A_1101 = arith.constant 2 : index
        %get3A_1102 = arith.constant 0 : index
        %get3A_1103 = arith.constant 0 : index
        %get3A_1104 = vector.load %arg4[%get3A_1101, %get3A_1102, %get3A_1103] : memref<7x128x128xf32, #tpu.memory_space<vmem>>, vector<1x128x128xf32>
        %get3A_1105 = vector.shape_cast %get3A_1104 : vector<1x128x128xf32> to vector<128x128xf32>
        %get3A_1106 = arith.constant 2 : index
        %get3A_1107 = arith.index_cast %add3A_1032 : i32 to index
        %get3A_1108 = arith.constant 0 : index
        %get3A_1109 = vector.load %arg0[%get3A_1106, %get3A_1107, %get3A_1108] : memref<7x32x128xf32, #tpu.memory_space<vmem>>, vector<1x1x128xf32>
        %get3A_1110 = vector.shape_cast %get3A_1109 : vector<1x1x128xf32> to vector<1x128xf32>
        %max3A_1111 = vector.broadcast %get3A_1110 : vector<1x128xf32> to vector<128x128xf32>
        %max3A_1112 = arith.maximumf %get3A_1105, %max3A_1111 : vector<128x128xf32>
        %sub3A_1113 = arith.subf %min3A_1100, %max3A_1112 : vector<128x128xf32>
        %max3A_1114 = arith.constant 0.000000e+00 : f32
        %max3A_1115 = vector.broadcast %max3A_1114 : f32 to vector<128x128xf32>
        %max3A_1116 = arith.maximumf %sub3A_1113, %max3A_1115 : vector<128x128xf32>
        %mul3A_1117 = arith.mulf %max3A_1060, %max3A_1088 : vector<128x128xf32>
        %mul3A_1118 = arith.mulf %mul3A_1117, %max3A_1116 : vector<128x128xf32>
        %get3A_1119 = arith.constant 6 : index
        %get3A_1120 = arith.constant 0 : index
        %get3A_1121 = arith.constant 0 : index
        %get3A_1122 = vector.load %arg4[%get3A_1119, %get3A_1120, %get3A_1121] : memref<7x128x128xf32, #tpu.memory_space<vmem>>, vector<1x128x128xf32>
        %get3A_1123 = vector.shape_cast %get3A_1122 : vector<1x128x128xf32> to vector<128x128xf32>
        %get3A_1124 = arith.constant 6 : index
        %get3A_1125 = arith.index_cast %add3A_1032 : i32 to index
        %get3A_1126 = arith.constant 0 : index
        %get3A_1127 = vector.load %arg0[%get3A_1124, %get3A_1125, %get3A_1126] : memref<7x32x128xf32, #tpu.memory_space<vmem>>, vector<1x1x128xf32>
        %get3A_1128 = vector.shape_cast %get3A_1127 : vector<1x1x128xf32> to vector<1x128xf32>
        %add3A_1129 = vector.broadcast %get3A_1128 : vector<1x128xf32> to vector<128x128xf32>
        %add3A_1130 = arith.addf %get3A_1123, %add3A_1129 : vector<128x128xf32>
        %sub3A_1131 = arith.subf %add3A_1130, %mul3A_1118 : vector<128x128xf32>
        %max3A_1132 = arith.constant 9.99999997E-7 : f32
        %max3A_1133 = vector.broadcast %max3A_1132 : f32 to vector<128x128xf32>
        %max3A_1134 = arith.maximumf %sub3A_1131, %max3A_1133 : vector<128x128xf32>
        %mul3A_1135 = arith.constant 1.000000e-01 : f32
        %mul3A_1136 = vector.broadcast %mul3A_1135 : f32 to vector<128x128xf32>
        %mul3A_1137 = arith.mulf %mul3A_1136, %max3A_1134 : vector<128x128xf32>
        %gt3A_1138 = arith.cmpf ogt, %mul3A_1118, %mul3A_1137 : vector<128x128xf32>
        %convert_element_type3A_1139 = arith.extui %gt3A_1138 : vector<128x128xi1> to vector<128x128xi32>
        %convert_element_type3A_1140 = arith.sitofp %convert_element_type3A_1139 : vector<128x128xi32> to vector<128x128xf32>
        %dot_general3A_1141 = arith.constant dense<0.000000e+00> : vector<1x128xf32>
        %dot_general3A_1142 = tpu.matmul %while3A_208#0, %convert_element_type3A_1140, %dot_general3A_1141 {dimension_numbers = #tpu.dot_dimension_numbers<[1], [0], [0], [1], [0, 0, 1, 1], [], []>, transpose_lhs_hint = false} : vector<1x128xf32>, vector<128x128xf32>, vector<1x128xf32> -> vector<1x128xf32>
        %gt3A_1143 = arith.cmpi sgt, %add3A_1032, %scan3A_9 : i32
        %convert_element_type3A_1144 = arith.extui %gt3A_1143 : i1 to i32
        %convert_element_type3A_1145 = arith.sitofp %convert_element_type3A_1144 : i32 to f32
        %get3A_1146 = arith.index_cast %add3A_1032 : i32 to index
        %get3A_1147 = arith.constant 0 : index
        %get3A_1148 = vector.load %arg3[%get3A_1146, %get3A_1147] : memref<32x128xf32, #tpu.memory_space<vmem>>, vector<1x128xf32>
        %mul3A_1149 = vector.broadcast %convert_element_type3A_1145 : f32 to vector<1x128xf32>
        %mul3A_1150 = arith.mulf %dot_general3A_1142, %mul3A_1149 : vector<1x128xf32>
        %gt3A_1151 = arith.constant 0.000000e+00 : f32
        %gt3A_1152 = vector.broadcast %gt3A_1151 : f32 to vector<1x128xf32>
        %gt3A_1153 = arith.cmpf ogt, %mul3A_1150, %gt3A_1152 : vector<1x128xf32>
        %jit3A_1154 = arith.constant 0.000000e+00 : f32
        %broadcast_in_dim3A_1155 = vector.broadcast %jit3A_1154 : f32 to vector<1x128xf32>
        %select_n3A_1156 = arith.select %gt3A_1153, %broadcast_in_dim3A_1155, %get3A_1148 : vector<1x128xi1>, vector<1x128xf32>
        %swap3A_1157 = arith.index_cast %add3A_1032 : i32 to index
        %swap3A_1158 = arith.constant 0 : index
        %swap3A_1159 = vector.load %arg3[%swap3A_1157, %swap3A_1158] : memref<32x128xf32, #tpu.memory_space<vmem>>, vector<1x128xf32>
        tpu.vector_store %arg3[%swap3A_1157, %swap3A_1158], %select_n3A_1156 {strides = array<i32>} : memref<32x128xf32, #tpu.memory_space<vmem>>, vector<1x128xf32>,
        %mul3A_1160 = arith.constant 8 : i32
        %mul3A_1161 = arith.muli %while3A_243, %mul3A_1160 : i32
        %add3A_1162 = arith.constant 7 : i32
        %add3A_1163 = arith.addi %mul3A_1161, %add3A_1162 : i32
        %get3A_1164 = arith.constant 3 : index
        %get3A_1165 = arith.constant 0 : index
        %get3A_1166 = arith.constant 0 : index
        %get3A_1167 = vector.load %arg4[%get3A_1164, %get3A_1165, %get3A_1166] : memref<7x128x128xf32, #tpu.memory_space<vmem>>, vector<1x128x128xf32>
        %get3A_1168 = vector.shape_cast %get3A_1167 : vector<1x128x128xf32> to vector<128x128xf32>
        %get3A_1169 = arith.constant 3 : index
        %get3A_1170 = arith.index_cast %add3A_1163 : i32 to index
        %get3A_1171 = arith.constant 0 : index
        %get3A_1172 = vector.load %arg0[%get3A_1169, %get3A_1170, %get3A_1171] : memref<7x32x128xf32, #tpu.memory_space<vmem>>, vector<1x1x128xf32>
        %get3A_1173 = vector.shape_cast %get3A_1172 : vector<1x1x128xf32> to vector<1x128xf32>
        %min3A_1174 = vector.broadcast %get3A_1173 : vector<1x128xf32> to vector<128x128xf32>
        %min3A_1175 = arith.minimumf %get3A_1168, %min3A_1174 : vector<128x128xf32>
        %get3A_1176 = arith.constant 0 : index
        %get3A_1177 = arith.constant 0 : index
        %get3A_1178 = arith.constant 0 : index
        %get3A_1179 = vector.load %arg4[%get3A_1176, %get3A_1177, %get3A_1178] : memref<7x128x128xf32, #tpu.memory_space<vmem>>, vector<1x128x128xf32>
        %get3A_1180 = vector.shape_cast %get3A_1179 : vector<1x128x128xf32> to vector<128x128xf32>
        %get3A_1181 = arith.constant 0 : index
        %get3A_1182 = arith.index_cast %add3A_1163 : i32 to index
        %get3A_1183 = arith.constant 0 : index
        %get3A_1184 = vector.load %arg0[%get3A_1181, %get3A_1182, %get3A_1183] : memref<7x32x128xf32, #tpu.memory_space<vmem>>, vector<1x1x128xf32>
        %get3A_1185 = vector.shape_cast %get3A_1184 : vector<1x1x128xf32> to vector<1x128xf32>
        %max3A_1186 = vector.broadcast %get3A_1185 : vector<1x128xf32> to vector<128x128xf32>
        %max3A_1187 = arith.maximumf %get3A_1180, %max3A_1186 : vector<128x128xf32>
        %sub3A_1188 = arith.subf %min3A_1175, %max3A_1187 : vector<128x128xf32>
        %max3A_1189 = arith.constant 0.000000e+00 : f32
        %max3A_1190 = vector.broadcast %max3A_1189 : f32 to vector<128x128xf32>
        %max3A_1191 = arith.maximumf %sub3A_1188, %max3A_1190 : vector<128x128xf32>
        %get3A_1192 = arith.constant 4 : index
        %get3A_1193 = arith.constant 0 : index
        %get3A_1194 = arith.constant 0 : index
        %get3A_1195 = vector.load %arg4[%get3A_1192, %get3A_1193, %get3A_1194] : memref<7x128x128xf32, #tpu.memory_space<vmem>>, vector<1x128x128xf32>
        %get3A_1196 = vector.shape_cast %get3A_1195 : vector<1x128x128xf32> to vector<128x128xf32>
        %get3A_1197 = arith.constant 4 : index
        %get3A_1198 = arith.index_cast %add3A_1163 : i32 to index
        %get3A_1199 = arith.constant 0 : index
        %get3A_1200 = vector.load %arg0[%get3A_1197, %get3A_1198, %get3A_1199] : memref<7x32x128xf32, #tpu.memory_space<vmem>>, vector<1x1x128xf32>
        %get3A_1201 = vector.shape_cast %get3A_1200 : vector<1x1x128xf32> to vector<1x128xf32>
        %min3A_1202 = vector.broadcast %get3A_1201 : vector<1x128xf32> to vector<128x128xf32>
        %min3A_1203 = arith.minimumf %get3A_1196, %min3A_1202 : vector<128x128xf32>
        %get3A_1204 = arith.constant 1 : index
        %get3A_1205 = arith.constant 0 : index
        %get3A_1206 = arith.constant 0 : index
        %get3A_1207 = vector.load %arg4[%get3A_1204, %get3A_1205, %get3A_1206] : memref<7x128x128xf32, #tpu.memory_space<vmem>>, vector<1x128x128xf32>
        %get3A_1208 = vector.shape_cast %get3A_1207 : vector<1x128x128xf32> to vector<128x128xf32>
        %get3A_1209 = arith.constant 1 : index
        %get3A_1210 = arith.index_cast %add3A_1163 : i32 to index
        %get3A_1211 = arith.constant 0 : index
        %get3A_1212 = vector.load %arg0[%get3A_1209, %get3A_1210, %get3A_1211] : memref<7x32x128xf32, #tpu.memory_space<vmem>>, vector<1x1x128xf32>
        %get3A_1213 = vector.shape_cast %get3A_1212 : vector<1x1x128xf32> to vector<1x128xf32>
        %max3A_1214 = vector.broadcast %get3A_1213 : vector<1x128xf32> to vector<128x128xf32>
        %max3A_1215 = arith.maximumf %get3A_1208, %max3A_1214 : vector<128x128xf32>
        %sub3A_1216 = arith.subf %min3A_1203, %max3A_1215 : vector<128x128xf32>
        %max3A_1217 = arith.constant 0.000000e+00 : f32
        %max3A_1218 = vector.broadcast %max3A_1217 : f32 to vector<128x128xf32>
        %max3A_1219 = arith.maximumf %sub3A_1216, %max3A_1218 : vector<128x128xf32>
        %get3A_1220 = arith.constant 5 : index
        %get3A_1221 = arith.constant 0 : index
        %get3A_1222 = arith.constant 0 : index
        %get3A_1223 = vector.load %arg4[%get3A_1220, %get3A_1221, %get3A_1222] : memref<7x128x128xf32, #tpu.memory_space<vmem>>, vector<1x128x128xf32>
        %get3A_1224 = vector.shape_cast %get3A_1223 : vector<1x128x128xf32> to vector<128x128xf32>
        %get3A_1225 = arith.constant 5 : index
        %get3A_1226 = arith.index_cast %add3A_1163 : i32 to index
        %get3A_1227 = arith.constant 0 : index
        %get3A_1228 = vector.load %arg0[%get3A_1225, %get3A_1226, %get3A_1227] : memref<7x32x128xf32, #tpu.memory_space<vmem>>, vector<1x1x128xf32>
        %get3A_1229 = vector.shape_cast %get3A_1228 : vector<1x1x128xf32> to vector<1x128xf32>
        %min3A_1230 = vector.broadcast %get3A_1229 : vector<1x128xf32> to vector<128x128xf32>
        %min3A_1231 = arith.minimumf %get3A_1224, %min3A_1230 : vector<128x128xf32>
        %get3A_1232 = arith.constant 2 : index
        %get3A_1233 = arith.constant 0 : index
        %get3A_1234 = arith.constant 0 : index
        %get3A_1235 = vector.load %arg4[%get3A_1232, %get3A_1233, %get3A_1234] : memref<7x128x128xf32, #tpu.memory_space<vmem>>, vector<1x128x128xf32>
        %get3A_1236 = vector.shape_cast %get3A_1235 : vector<1x128x128xf32> to vector<128x128xf32>
        %get3A_1237 = arith.constant 2 : index
        %get3A_1238 = arith.index_cast %add3A_1163 : i32 to index
        %get3A_1239 = arith.constant 0 : index
        %get3A_1240 = vector.load %arg0[%get3A_1237, %get3A_1238, %get3A_1239] : memref<7x32x128xf32, #tpu.memory_space<vmem>>, vector<1x1x128xf32>
        %get3A_1241 = vector.shape_cast %get3A_1240 : vector<1x1x128xf32> to vector<1x128xf32>
        %max3A_1242 = vector.broadcast %get3A_1241 : vector<1x128xf32> to vector<128x128xf32>
        %max3A_1243 = arith.maximumf %get3A_1236, %max3A_1242 : vector<128x128xf32>
        %sub3A_1244 = arith.subf %min3A_1231, %max3A_1243 : vector<128x128xf32>
        %max3A_1245 = arith.constant 0.000000e+00 : f32
        %max3A_1246 = vector.broadcast %max3A_1245 : f32 to vector<128x128xf32>
        %max3A_1247 = arith.maximumf %sub3A_1244, %max3A_1246 : vector<128x128xf32>
        %mul3A_1248 = arith.mulf %max3A_1191, %max3A_1219 : vector<128x128xf32>
        %mul3A_1249 = arith.mulf %mul3A_1248, %max3A_1247 : vector<128x128xf32>
        %get3A_1250 = arith.constant 6 : index
        %get3A_1251 = arith.constant 0 : index
        %get3A_1252 = arith.constant 0 : index
        %get3A_1253 = vector.load %arg4[%get3A_1250, %get3A_1251, %get3A_1252] : memref<7x128x128xf32, #tpu.memory_space<vmem>>, vector<1x128x128xf32>
        %get3A_1254 = vector.shape_cast %get3A_1253 : vector<1x128x128xf32> to vector<128x128xf32>
        %get3A_1255 = arith.constant 6 : index
        %get3A_1256 = arith.index_cast %add3A_1163 : i32 to index
        %get3A_1257 = arith.constant 0 : index
        %get3A_1258 = vector.load %arg0[%get3A_1255, %get3A_1256, %get3A_1257] : memref<7x32x128xf32, #tpu.memory_space<vmem>>, vector<1x1x128xf32>
        %get3A_1259 = vector.shape_cast %get3A_1258 : vector<1x1x128xf32> to vector<1x128xf32>
        %add3A_1260 = vector.broadcast %get3A_1259 : vector<1x128xf32> to vector<128x128xf32>
        %add3A_1261 = arith.addf %get3A_1254, %add3A_1260 : vector<128x128xf32>
        %sub3A_1262 = arith.subf %add3A_1261, %mul3A_1249 : vector<128x128xf32>
        %max3A_1263 = arith.constant 9.99999997E-7 : f32
        %max3A_1264 = vector.broadcast %max3A_1263 : f32 to vector<128x128xf32>
        %max3A_1265 = arith.maximumf %sub3A_1262, %max3A_1264 : vector<128x128xf32>
        %mul3A_1266 = arith.constant 1.000000e-01 : f32
        %mul3A_1267 = vector.broadcast %mul3A_1266 : f32 to vector<128x128xf32>
        %mul3A_1268 = arith.mulf %mul3A_1267, %max3A_1265 : vector<128x128xf32>
        %gt3A_1269 = arith.cmpf ogt, %mul3A_1249, %mul3A_1268 : vector<128x128xf32>
        %convert_element_type3A_1270 = arith.extui %gt3A_1269 : vector<128x128xi1> to vector<128x128xi32>
        %convert_element_type3A_1271 = arith.sitofp %convert_element_type3A_1270 : vector<128x128xi32> to vector<128x128xf32>
        %dot_general3A_1272 = arith.constant dense<0.000000e+00> : vector<1x128xf32>
        %dot_general3A_1273 = tpu.matmul %while3A_208#0, %convert_element_type3A_1271, %dot_general3A_1272 {dimension_numbers = #tpu.dot_dimension_numbers<[1], [0], [0], [1], [0, 0, 1, 1], [], []>, transpose_lhs_hint = false} : vector<1x128xf32>, vector<128x128xf32>, vector<1x128xf32> -> vector<1x128xf32>
        %gt3A_1274 = arith.cmpi sgt, %add3A_1163, %scan3A_9 : i32
        %convert_element_type3A_1275 = arith.extui %gt3A_1274 : i1 to i32
        %convert_element_type3A_1276 = arith.sitofp %convert_element_type3A_1275 : i32 to f32
        %get3A_1277 = arith.index_cast %add3A_1163 : i32 to index
        %get3A_1278 = arith.constant 0 : index
        %get3A_1279 = vector.load %arg3[%get3A_1277, %get3A_1278] : memref<32x128xf32, #tpu.memory_space<vmem>>, vector<1x128xf32>
        %mul3A_1280 = vector.broadcast %convert_element_type3A_1276 : f32 to vector<1x128xf32>
        %mul3A_1281 = arith.mulf %dot_general3A_1273, %mul3A_1280 : vector<1x128xf32>
        %gt3A_1282 = arith.constant 0.000000e+00 : f32
        %gt3A_1283 = vector.broadcast %gt3A_1282 : f32 to vector<1x128xf32>
        %gt3A_1284 = arith.cmpf ogt, %mul3A_1281, %gt3A_1283 : vector<1x128xf32>
        %jit3A_1285 = arith.constant 0.000000e+00 : f32
        %broadcast_in_dim3A_1286 = vector.broadcast %jit3A_1285 : f32 to vector<1x128xf32>
        %select_n3A_1287 = arith.select %gt3A_1284, %broadcast_in_dim3A_1286, %get3A_1279 : vector<1x128xi1>, vector<1x128xf32>
        %swap3A_1288 = arith.index_cast %add3A_1163 : i32 to index
        %swap3A_1289 = arith.constant 0 : index
        %swap3A_1290 = vector.load %arg3[%swap3A_1288, %swap3A_1289] : memref<32x128xf32, #tpu.memory_space<vmem>>, vector<1x128xf32>
        tpu.vector_store %arg3[%swap3A_1288, %swap3A_1289], %select_n3A_1287 {strides = array<i32>} : memref<32x128xf32, #tpu.memory_space<vmem>>, vector<1x128xf32>,
      }
      %while3A_242 = arith.constant 1 : i32
      scf.for %while3A_243 = %while3A_240 to %while3A_236 step %while3A_242  : i32 {
        %mul3A_244 = arith.constant 8 : i32
        %mul3A_245 = arith.muli %while3A_243, %mul3A_244 : i32
        %add3A_246 = arith.constant 0 : i32
        %add3A_247 = arith.addi %mul3A_245, %add3A_246 : i32
        %get3A_248 = arith.constant 3 : index
        %get3A_249 = arith.constant 0 : index
        %get3A_250 = arith.constant 0 : index
        %get3A_251 = vector.load %arg4[%get3A_248, %get3A_249, %get3A_250] : memref<7x128x128xf32, #tpu.memory_space<vmem>>, vector<1x128x128xf32>
        %get3A_252 = vector.shape_cast %get3A_251 : vector<1x128x128xf32> to vector<128x128xf32>
        %get3A_253 = arith.constant 3 : index
        %get3A_254 = arith.index_cast %add3A_247 : i32 to index
        %get3A_255 = arith.constant 0 : index
        %get3A_256 = vector.load %arg0[%get3A_253, %get3A_254, %get3A_255] : memref<7x32x128xf32, #tpu.memory_space<vmem>>, vector<1x1x128xf32>
        %get3A_257 = vector.shape_cast %get3A_256 : vector<1x1x128xf32> to vector<1x128xf32>
        %min3A_258 = vector.broadcast %get3A_257 : vector<1x128xf32> to vector<128x128xf32>
        %min3A_259 = arith.minimumf %get3A_252, %min3A_258 : vector<128x128xf32>
        %get3A_260 = arith.constant 0 : index
        %get3A_261 = arith.constant 0 : index
        %get3A_262 = arith.constant 0 : index
        %get3A_263 = vector.load %arg4[%get3A_260, %get3A_261, %get3A_262] : memref<7x128x128xf32, #tpu.memory_space<vmem>>, vector<1x128x128xf32>
        %get3A_264 = vector.shape_cast %get3A_263 : vector<1x128x128xf32> to vector<128x128xf32>
        %get3A_265 = arith.constant 0 : index
        %get3A_266 = arith.index_cast %add3A_247 : i32 to index
        %get3A_267 = arith.constant 0 : index
        %get3A_268 = vector.load %arg0[%get3A_265, %get3A_266, %get3A_267] : memref<7x32x128xf32, #tpu.memory_space<vmem>>, vector<1x1x128xf32>
        %get3A_269 = vector.shape_cast %get3A_268 : vector<1x1x128xf32> to vector<1x128xf32>
        %max3A_270 = vector.broadcast %get3A_269 : vector<1x128xf32> to vector<128x128xf32>
        %max3A_271 = arith.maximumf %get3A_264, %max3A_270 : vector<128x128xf32>
        %sub3A_272 = arith.subf %min3A_259, %max3A_271 : vector<128x128xf32>
        %max3A_273 = arith.constant 0.000000e+00 : f32
        %max3A_274 = vector.broadcast %max3A_273 : f32 to vector<128x128xf32>
        %max3A_275 = arith.maximumf %sub3A_272, %max3A_274 : vector<128x128xf32>
        %get3A_276 = arith.constant 4 : index
        %get3A_277 = arith.constant 0 : index
        %get3A_278 = arith.constant 0 : index
        %get3A_279 = vector.load %arg4[%get3A_276, %get3A_277, %get3A_278] : memref<7x128x128xf32, #tpu.memory_space<vmem>>, vector<1x128x128xf32>
        %get3A_280 = vector.shape_cast %get3A_279 : vector<1x128x128xf32> to vector<128x128xf32>
        %get3A_281 = arith.constant 4 : index
        %get3A_282 = arith.index_cast %add3A_247 : i32 to index
        %get3A_283 = arith.constant 0 : index
        %get3A_284 = vector.load %arg0[%get3A_281, %get3A_282, %get3A_283] : memref<7x32x128xf32, #tpu.memory_space<vmem>>, vector<1x1x128xf32>
        %get3A_285 = vector.shape_cast %get3A_284 : vector<1x1x128xf32> to vector<1x128xf32>
        %min3A_286 = vector.broadcast %get3A_285 : vector<1x128xf32> to vector<128x128xf32>
        %min3A_287 = arith.minimumf %get3A_280, %min3A_286 : vector<128x128xf32>
        %get3A_288 = arith.constant 1 : index
        %get3A_289 = arith.constant 0 : index
        %get3A_290 = arith.constant 0 : index
        %get3A_291 = vector.load %arg4[%get3A_288, %get3A_289, %get3A_290] : memref<7x128x128xf32, #tpu.memory_space<vmem>>, vector<1x128x128xf32>
        %get3A_292 = vector.shape_cast %get3A_291 : vector<1x128x128xf32> to vector<128x128xf32>
        %get3A_293 = arith.constant 1 : index
        %get3A_294 = arith.index_cast %add3A_247 : i32 to index
        %get3A_295 = arith.constant 0 : index
        %get3A_296 = vector.load %arg0[%get3A_293, %get3A_294, %get3A_295] : memref<7x32x128xf32, #tpu.memory_space<vmem>>, vector<1x1x128xf32>
        %get3A_297 = vector.shape_cast %get3A_296 : vector<1x1x128xf32> to vector<1x128xf32>
        %max3A_298 = vector.broadcast %get3A_297 : vector<1x128xf32> to vector<128x128xf32>
        %max3A_299 = arith.maximumf %get3A_292, %max3A_298 : vector<128x128xf32>
        %sub3A_300 = arith.subf %min3A_287, %max3A_299 : vector<128x128xf32>
        %max3A_301 = arith.constant 0.000000e+00 : f32
        %max3A_302 = vector.broadcast %max3A_301 : f32 to vector<128x128xf32>
        %max3A_303 = arith.maximumf %sub3A_300, %max3A_302 : vector<128x128xf32>
        %get3A_304 = arith.constant 5 : index
        %get3A_305 = arith.constant 0 : index
        %get3A_306 = arith.constant 0 : index
        %get3A_307 = vector.load %arg4[%get3A_304, %get3A_305, %get3A_306] : memref<7x128x128xf32, #tpu.memory_space<vmem>>, vector<1x128x128xf32>
        %get3A_308 = vector.shape_cast %get3A_307 : vector<1x128x128xf32> to vector<128x128xf32>
        %get3A_309 = arith.constant 5 : index
        %get3A_310 = arith.index_cast %add3A_247 : i32 to index
        %get3A_311 = arith.constant 0 : index
        %get3A_312 = vector.load %arg0[%get3A_309, %get3A_310, %get3A_311] : memref<7x32x128xf32, #tpu.memory_space<vmem>>, vector<1x1x128xf32>
        %get3A_313 = vector.shape_cast %get3A_312 : vector<1x1x128xf32> to vector<1x128xf32>
        %min3A_314 = vector.broadcast %get3A_313 : vector<1x128xf32> to vector<128x128xf32>
        %min3A_315 = arith.minimumf %get3A_308, %min3A_314 : vector<128x128xf32>
        %get3A_316 = arith.constant 2 : index
        %get3A_317 = arith.constant 0 : index
        %get3A_318 = arith.constant 0 : index
        %get3A_319 = vector.load %arg4[%get3A_316, %get3A_317, %get3A_318] : memref<7x128x128xf32, #tpu.memory_space<vmem>>, vector<1x128x128xf32>
        %get3A_320 = vector.shape_cast %get3A_319 : vector<1x128x128xf32> to vector<128x128xf32>
        %get3A_321 = arith.constant 2 : index
        %get3A_322 = arith.index_cast %add3A_247 : i32 to index
        %get3A_323 = arith.constant 0 : index
        %get3A_324 = vector.load %arg0[%get3A_321, %get3A_322, %get3A_323] : memref<7x32x128xf32, #tpu.memory_space<vmem>>, vector<1x1x128xf32>
        %get3A_325 = vector.shape_cast %get3A_324 : vector<1x1x128xf32> to vector<1x128xf32>
        %max3A_326 = vector.broadcast %get3A_325 : vector<1x128xf32> to vector<128x128xf32>
        %max3A_327 = arith.maximumf %get3A_320, %max3A_326 : vector<128x128xf32>
        %sub3A_328 = arith.subf %min3A_315, %max3A_327 : vector<128x128xf32>
        %max3A_329 = arith.constant 0.000000e+00 : f32
        %max3A_330 = vector.broadcast %max3A_329 : f32 to vector<128x128xf32>
        %max3A_331 = arith.maximumf %sub3A_328, %max3A_330 : vector<128x128xf32>
        %mul3A_332 = arith.mulf %max3A_275, %max3A_303 : vector<128x128xf32>
        %mul3A_333 = arith.mulf %mul3A_332, %max3A_331 : vector<128x128xf32>
        %get3A_334 = arith.constant 6 : index
        %get3A_335 = arith.constant 0 : index
        %get3A_336 = arith.constant 0 : index
        %get3A_337 = vector.load %arg4[%get3A_334, %get3A_335, %get3A_336] : memref<7x128x128xf32, #tpu.memory_space<vmem>>, vector<1x128x128xf32>
        %get3A_338 = vector.shape_cast %get3A_337 : vector<1x128x128xf32> to vector<128x128xf32>
        %get3A_339 = arith.constant 6 : index
        %get3A_340 = arith.index_cast %add3A_247 : i32 to index
        %get3A_341 = arith.constant 0 : index
        %get3A_342 = vector.load %arg0[%get3A_339, %get3A_340, %get3A_341] : memref<7x32x128xf32, #tpu.memory_space<vmem>>, vector<1x1x128xf32>
        %get3A_343 = vector.shape_cast %get3A_342 : vector<1x1x128xf32> to vector<1x128xf32>
        %add3A_344 = vector.broadcast %get3A_343 : vector<1x128xf32> to vector<128x128xf32>
        %add3A_345 = arith.addf %get3A_338, %add3A_344 : vector<128x128xf32>
        %sub3A_346 = arith.subf %add3A_345, %mul3A_333 : vector<128x128xf32>
        %max3A_347 = arith.constant 9.99999997E-7 : f32
        %max3A_348 = vector.broadcast %max3A_347 : f32 to vector<128x128xf32>
        %max3A_349 = arith.maximumf %sub3A_346, %max3A_348 : vector<128x128xf32>
        %mul3A_350 = arith.constant 1.000000e-01 : f32
        %mul3A_351 = vector.broadcast %mul3A_350 : f32 to vector<128x128xf32>
        %mul3A_352 = arith.mulf %mul3A_351, %max3A_349 : vector<128x128xf32>
        %gt3A_353 = arith.cmpf ogt, %mul3A_333, %mul3A_352 : vector<128x128xf32>
        %convert_element_type3A_354 = arith.extui %gt3A_353 : vector<128x128xi1> to vector<128x128xi32>
        %convert_element_type3A_355 = arith.sitofp %convert_element_type3A_354 : vector<128x128xi32> to vector<128x128xf32>
        %dot_general3A = arith.constant dense<0.000000e+00> : vector<1x128xf32>
        %dot_general3A_356 = tpu.matmul %while3A_208#0, %convert_element_type3A_355, %dot_general3A {dimension_numbers = #tpu.dot_dimension_numbers<[1], [0], [0], [1], [0, 0, 1, 1], [], []>, transpose_lhs_hint = false} : vector<1x128xf32>, vector<128x128xf32>, vector<1x128xf32> -> vector<1x128xf32>
        %gt3A_357 = arith.cmpi sgt, %add3A_247, %scan3A_9 : i32
        %convert_element_type3A_358 = arith.extui %gt3A_357 : i1 to i32
        %convert_element_type3A_359 = arith.sitofp %convert_element_type3A_358 : i32 to f32
        %get3A_360 = arith.index_cast %add3A_247 : i32 to index
        %get3A_361 = arith.constant 0 : index
        %get3A_362 = vector.load %arg3[%get3A_360, %get3A_361] : memref<32x128xf32, #tpu.memory_space<vmem>>, vector<1x128xf32>
        %mul3A_363 = vector.broadcast %convert_element_type3A_359 : f32 to vector<1x128xf32>
        %mul3A_364 = arith.mulf %dot_general3A_356, %mul3A_363 : vector<1x128xf32>
        %gt3A_365 = arith.constant 0.000000e+00 : f32
        %gt3A_366 = vector.broadcast %gt3A_365 : f32 to vector<1x128xf32>
        %gt3A_367 = arith.cmpf ogt, %mul3A_364, %gt3A_366 : vector<1x128xf32>
        %jit3A_368 = arith.constant 0.000000e+00 : f32
        %broadcast_in_dim3A_369 = vector.broadcast %jit3A_368 : f32 to vector<1x128xf32>
        %select_n3A_370 = arith.select %gt3A_367, %broadcast_in_dim3A_369, %get3A_362 : vector<1x128xi1>, vector<1x128xf32>
        %swap3A_371 = arith.index_cast %add3A_247 : i32 to index
        %swap3A_372 = arith.constant 0 : index
        %swap3A_373 = vector.load %arg3[%swap3A_371, %swap3A_372] : memref<32x128xf32, #tpu.memory_space<vmem>>, vector<1x128xf32>
        tpu.vector_store %arg3[%swap3A_371, %swap3A_372], %select_n3A_370 {strides = array<i32>} : memref<32x128xf32, #tpu.memory_space<vmem>>, vector<1x128xf32>,
        %mul3A_374 = arith.constant 8 : i32
        %mul3A_375 = arith.muli %while3A_243, %mul3A_374 : i32
        %add3A_376 = arith.constant 1 : i32
        %add3A_377 = arith.addi %mul3A_375, %add3A_376 : i32
        %get3A_378 = arith.constant 3 : index
        %get3A_379 = arith.constant 0 : index
        %get3A_380 = arith.constant 0 : index
        %get3A_381 = vector.load %arg4[%get3A_378, %get3A_379, %get3A_380] : memref<7x128x128xf32, #tpu.memory_space<vmem>>, vector<1x128x128xf32>
        %get3A_382 = vector.shape_cast %get3A_381 : vector<1x128x128xf32> to vector<128x128xf32>
        %get3A_383 = arith.constant 3 : index
        %get3A_384 = arith.index_cast %add3A_377 : i32 to index
        %get3A_385 = arith.constant 0 : index
        %get3A_386 = vector.load %arg0[%get3A_383, %get3A_384, %get3A_385] : memref<7x32x128xf32, #tpu.memory_space<vmem>>, vector<1x1x128xf32>
        %get3A_387 = vector.shape_cast %get3A_386 : vector<1x1x128xf32> to vector<1x128xf32>
        %min3A_388 = vector.broadcast %get3A_387 : vector<1x128xf32> to vector<128x128xf32>
        %min3A_389 = arith.minimumf %get3A_382, %min3A_388 : vector<128x128xf32>
        %get3A_390 = arith.constant 0 : index
        %get3A_391 = arith.constant 0 : index
        %get3A_392 = arith.constant 0 : index
        %get3A_393 = vector.load %arg4[%get3A_390, %get3A_391, %get3A_392] : memref<7x128x128xf32, #tpu.memory_space<vmem>>, vector<1x128x128xf32>
        %get3A_394 = vector.shape_cast %get3A_393 : vector<1x128x128xf32> to vector<128x128xf32>
        %get3A_395 = arith.constant 0 : index
        %get3A_396 = arith.index_cast %add3A_377 : i32 to index
        %get3A_397 = arith.constant 0 : index
        %get3A_398 = vector.load %arg0[%get3A_395, %get3A_396, %get3A_397] : memref<7x32x128xf32, #tpu.memory_space<vmem>>, vector<1x1x128xf32>
        %get3A_399 = vector.shape_cast %get3A_398 : vector<1x1x128xf32> to vector<1x128xf32>
        %max3A_400 = vector.broadcast %get3A_399 : vector<1x128xf32> to vector<128x128xf32>
        %max3A_401 = arith.maximumf %get3A_394, %max3A_400 : vector<128x128xf32>
        %sub3A_402 = arith.subf %min3A_389, %max3A_401 : vector<128x128xf32>
        %max3A_403 = arith.constant 0.000000e+00 : f32
        %max3A_404 = vector.broadcast %max3A_403 : f32 to vector<128x128xf32>
        %max3A_405 = arith.maximumf %sub3A_402, %max3A_404 : vector<128x128xf32>
        %get3A_406 = arith.constant 4 : index
        %get3A_407 = arith.constant 0 : index
        %get3A_408 = arith.constant 0 : index
        %get3A_409 = vector.load %arg4[%get3A_406, %get3A_407, %get3A_408] : memref<7x128x128xf32, #tpu.memory_space<vmem>>, vector<1x128x128xf32>
        %get3A_410 = vector.shape_cast %get3A_409 : vector<1x128x128xf32> to vector<128x128xf32>
        %get3A_411 = arith.constant 4 : index
        %get3A_412 = arith.index_cast %add3A_377 : i32 to index
        %get3A_413 = arith.constant 0 : index
        %get3A_414 = vector.load %arg0[%get3A_411, %get3A_412, %get3A_413] : memref<7x32x128xf32, #tpu.memory_space<vmem>>, vector<1x1x128xf32>
        %get3A_415 = vector.shape_cast %get3A_414 : vector<1x1x128xf32> to vector<1x128xf32>
        %min3A_416 = vector.broadcast %get3A_415 : vector<1x128xf32> to vector<128x128xf32>
        %min3A_417 = arith.minimumf %get3A_410, %min3A_416 : vector<128x128xf32>
        %get3A_418 = arith.constant 1 : index
        %get3A_419 = arith.constant 0 : index
        %get3A_420 = arith.constant 0 : index
        %get3A_421 = vector.load %arg4[%get3A_418, %get3A_419, %get3A_420] : memref<7x128x128xf32, #tpu.memory_space<vmem>>, vector<1x128x128xf32>
        %get3A_422 = vector.shape_cast %get3A_421 : vector<1x128x128xf32> to vector<128x128xf32>
        %get3A_423 = arith.constant 1 : index
        %get3A_424 = arith.index_cast %add3A_377 : i32 to index
        %get3A_425 = arith.constant 0 : index
        %get3A_426 = vector.load %arg0[%get3A_423, %get3A_424, %get3A_425] : memref<7x32x128xf32, #tpu.memory_space<vmem>>, vector<1x1x128xf32>
        %get3A_427 = vector.shape_cast %get3A_426 : vector<1x1x128xf32> to vector<1x128xf32>
        %max3A_428 = vector.broadcast %get3A_427 : vector<1x128xf32> to vector<128x128xf32>
        %max3A_429 = arith.maximumf %get3A_422, %max3A_428 : vector<128x128xf32>
        %sub3A_430 = arith.subf %min3A_417, %max3A_429 : vector<128x128xf32>
        %max3A_431 = arith.constant 0.000000e+00 : f32
        %max3A_432 = vector.broadcast %max3A_431 : f32 to vector<128x128xf32>
        %max3A_433 = arith.maximumf %sub3A_430, %max3A_432 : vector<128x128xf32>
        %get3A_434 = arith.constant 5 : index
        %get3A_435 = arith.constant 0 : index
        %get3A_436 = arith.constant 0 : index
        %get3A_437 = vector.load %arg4[%get3A_434, %get3A_435, %get3A_436] : memref<7x128x128xf32, #tpu.memory_space<vmem>>, vector<1x128x128xf32>
        %get3A_438 = vector.shape_cast %get3A_437 : vector<1x128x128xf32> to vector<128x128xf32>
        %get3A_439 = arith.constant 5 : index
        %get3A_440 = arith.index_cast %add3A_377 : i32 to index
        %get3A_441 = arith.constant 0 : index
        %get3A_442 = vector.load %arg0[%get3A_439, %get3A_440, %get3A_441] : memref<7x32x128xf32, #tpu.memory_space<vmem>>, vector<1x1x128xf32>
        %get3A_443 = vector.shape_cast %get3A_442 : vector<1x1x128xf32> to vector<1x128xf32>
        %min3A_444 = vector.broadcast %get3A_443 : vector<1x128xf32> to vector<128x128xf32>
        %min3A_445 = arith.minimumf %get3A_438, %min3A_444 : vector<128x128xf32>
        %get3A_446 = arith.constant 2 : index
        %get3A_447 = arith.constant 0 : index
        %get3A_448 = arith.constant 0 : index
        %get3A_449 = vector.load %arg4[%get3A_446, %get3A_447, %get3A_448] : memref<7x128x128xf32, #tpu.memory_space<vmem>>, vector<1x128x128xf32>
        %get3A_450 = vector.shape_cast %get3A_449 : vector<1x128x128xf32> to vector<128x128xf32>
        %get3A_451 = arith.constant 2 : index
        %get3A_452 = arith.index_cast %add3A_377 : i32 to index
        %get3A_453 = arith.constant 0 : index
        %get3A_454 = vector.load %arg0[%get3A_451, %get3A_452, %get3A_453] : memref<7x32x128xf32, #tpu.memory_space<vmem>>, vector<1x1x128xf32>
        %get3A_455 = vector.shape_cast %get3A_454 : vector<1x1x128xf32> to vector<1x128xf32>
        %max3A_456 = vector.broadcast %get3A_455 : vector<1x128xf32> to vector<128x128xf32>
        %max3A_457 = arith.maximumf %get3A_450, %max3A_456 : vector<128x128xf32>
        %sub3A_458 = arith.subf %min3A_445, %max3A_457 : vector<128x128xf32>
        %max3A_459 = arith.constant 0.000000e+00 : f32
        %max3A_460 = vector.broadcast %max3A_459 : f32 to vector<128x128xf32>
        %max3A_461 = arith.maximumf %sub3A_458, %max3A_460 : vector<128x128xf32>
        %mul3A_462 = arith.mulf %max3A_405, %max3A_433 : vector<128x128xf32>
        %mul3A_463 = arith.mulf %mul3A_462, %max3A_461 : vector<128x128xf32>
        %get3A_464 = arith.constant 6 : index
        %get3A_465 = arith.constant 0 : index
        %get3A_466 = arith.constant 0 : index
        %get3A_467 = vector.load %arg4[%get3A_464, %get3A_465, %get3A_466] : memref<7x128x128xf32, #tpu.memory_space<vmem>>, vector<1x128x128xf32>
        %get3A_468 = vector.shape_cast %get3A_467 : vector<1x128x128xf32> to vector<128x128xf32>
        %get3A_469 = arith.constant 6 : index
        %get3A_470 = arith.index_cast %add3A_377 : i32 to index
        %get3A_471 = arith.constant 0 : index
        %get3A_472 = vector.load %arg0[%get3A_469, %get3A_470, %get3A_471] : memref<7x32x128xf32, #tpu.memory_space<vmem>>, vector<1x1x128xf32>
        %get3A_473 = vector.shape_cast %get3A_472 : vector<1x1x128xf32> to vector<1x128xf32>
        %add3A_474 = vector.broadcast %get3A_473 : vector<1x128xf32> to vector<128x128xf32>
        %add3A_475 = arith.addf %get3A_468, %add3A_474 : vector<128x128xf32>
        %sub3A_476 = arith.subf %add3A_475, %mul3A_463 : vector<128x128xf32>
        %max3A_477 = arith.constant 9.99999997E-7 : f32
        %max3A_478 = vector.broadcast %max3A_477 : f32 to vector<128x128xf32>
        %max3A_479 = arith.maximumf %sub3A_476, %max3A_478 : vector<128x128xf32>
        %mul3A_480 = arith.constant 1.000000e-01 : f32
        %mul3A_481 = vector.broadcast %mul3A_480 : f32 to vector<128x128xf32>
        %mul3A_482 = arith.mulf %mul3A_481, %max3A_479 : vector<128x128xf32>
        %gt3A_483 = arith.cmpf ogt, %mul3A_463, %mul3A_482 : vector<128x128xf32>
        %convert_element_type3A_484 = arith.extui %gt3A_483 : vector<128x128xi1> to vector<128x128xi32>
        %convert_element_type3A_485 = arith.sitofp %convert_element_type3A_484 : vector<128x128xi32> to vector<128x128xf32>
        %dot_general3A_486 = arith.constant dense<0.000000e+00> : vector<1x128xf32>
        %dot_general3A_487 = tpu.matmul %while3A_208#0, %convert_element_type3A_485, %dot_general3A_486 {dimension_numbers = #tpu.dot_dimension_numbers<[1], [0], [0], [1], [0, 0, 1, 1], [], []>, transpose_lhs_hint = false} : vector<1x128xf32>, vector<128x128xf32>, vector<1x128xf32> -> vector<1x128xf32>
        %gt3A_488 = arith.cmpi sgt, %add3A_377, %scan3A_9 : i32
        %convert_element_type3A_489 = arith.extui %gt3A_488 : i1 to i32
        %convert_element_type3A_490 = arith.sitofp %convert_element_type3A_489 : i32 to f32
        %get3A_491 = arith.index_cast %add3A_377 : i32 to index
        %get3A_492 = arith.constant 0 : index
        %get3A_493 = vector.load %arg3[%get3A_491, %get3A_492] : memref<32x128xf32, #tpu.memory_space<vmem>>, vector<1x128xf32>
        %mul3A_494 = vector.broadcast %convert_element_type3A_490 : f32 to vector<1x128xf32>
        %mul3A_495 = arith.mulf %dot_general3A_487, %mul3A_494 : vector<1x128xf32>
        %gt3A_496 = arith.constant 0.000000e+00 : f32
        %gt3A_497 = vector.broadcast %gt3A_496 : f32 to vector<1x128xf32>
        %gt3A_498 = arith.cmpf ogt, %mul3A_495, %gt3A_497 : vector<1x128xf32>
        %jit3A_499 = arith.constant 0.000000e+00 : f32
        %broadcast_in_dim3A_500 = vector.broadcast %jit3A_499 : f32 to vector<1x128xf32>
        %select_n3A_501 = arith.select %gt3A_498, %broadcast_in_dim3A_500, %get3A_493 : vector<1x128xi1>, vector<1x128xf32>
        %swap3A_502 = arith.index_cast %add3A_377 : i32 to index
        %swap3A_503 = arith.constant 0 : index
        %swap3A_504 = vector.load %arg3[%swap3A_502, %swap3A_503] : memref<32x128xf32, #tpu.memory_space<vmem>>, vector<1x128xf32>
        tpu.vector_store %arg3[%swap3A_502, %swap3A_503], %select_n3A_501 {strides = array<i32>} : memref<32x128xf32, #tpu.memory_space<vmem>>, vector<1x128xf32>,
        %mul3A_505 = arith.constant 8 : i32
        %mul3A_506 = arith.muli %while3A_243, %mul3A_505 : i32
        %add3A_507 = arith.constant 2 : i32
        %add3A_508 = arith.addi %mul3A_506, %add3A_507 : i32
        %get3A_509 = arith.constant 3 : index
        %get3A_510 = arith.constant 0 : index
        %get3A_511 = arith.constant 0 : index
        %get3A_512 = vector.load %arg4[%get3A_509, %get3A_510, %get3A_511] : memref<7x128x128xf32, #tpu.memory_space<vmem>>, vector<1x128x128xf32>
        %get3A_513 = vector.shape_cast %get3A_512 : vector<1x128x128xf32> to vector<128x128xf32>
        %get3A_514 = arith.constant 3 : index
        %get3A_515 = arith.index_cast %add3A_508 : i32 to index
        %get3A_516 = arith.constant 0 : index
        %get3A_517 = vector.load %arg0[%get3A_514, %get3A_515, %get3A_516] : memref<7x32x128xf32, #tpu.memory_space<vmem>>, vector<1x1x128xf32>
        %get3A_518 = vector.shape_cast %get3A_517 : vector<1x1x128xf32> to vector<1x128xf32>
        %min3A_519 = vector.broadcast %get3A_518 : vector<1x128xf32> to vector<128x128xf32>
        %min3A_520 = arith.minimumf %get3A_513, %min3A_519 : vector<128x128xf32>
        %get3A_521 = arith.constant 0 : index
        %get3A_522 = arith.constant 0 : index
        %get3A_523 = arith.constant 0 : index
        %get3A_524 = vector.load %arg4[%get3A_521, %get3A_522, %get3A_523] : memref<7x128x128xf32, #tpu.memory_space<vmem>>, vector<1x128x128xf32>
        %get3A_525 = vector.shape_cast %get3A_524 : vector<1x128x128xf32> to vector<128x128xf32>
        %get3A_526 = arith.constant 0 : index
        %get3A_527 = arith.index_cast %add3A_508 : i32 to index
        %get3A_528 = arith.constant 0 : index
        %get3A_529 = vector.load %arg0[%get3A_526, %get3A_527, %get3A_528] : memref<7x32x128xf32, #tpu.memory_space<vmem>>, vector<1x1x128xf32>
        %get3A_530 = vector.shape_cast %get3A_529 : vector<1x1x128xf32> to vector<1x128xf32>
        %max3A_531 = vector.broadcast %get3A_530 : vector<1x128xf32> to vector<128x128xf32>
        %max3A_532 = arith.maximumf %get3A_525, %max3A_531 : vector<128x128xf32>
        %sub3A_533 = arith.subf %min3A_520, %max3A_532 : vector<128x128xf32>
        %max3A_534 = arith.constant 0.000000e+00 : f32
        %max3A_535 = vector.broadcast %max3A_534 : f32 to vector<128x128xf32>
        %max3A_536 = arith.maximumf %sub3A_533, %max3A_535 : vector<128x128xf32>
        %get3A_537 = arith.constant 4 : index
        %get3A_538 = arith.constant 0 : index
        %get3A_539 = arith.constant 0 : index
        %get3A_540 = vector.load %arg4[%get3A_537, %get3A_538, %get3A_539] : memref<7x128x128xf32, #tpu.memory_space<vmem>>, vector<1x128x128xf32>
        %get3A_541 = vector.shape_cast %get3A_540 : vector<1x128x128xf32> to vector<128x128xf32>
        %get3A_542 = arith.constant 4 : index
        %get3A_543 = arith.index_cast %add3A_508 : i32 to index
        %get3A_544 = arith.constant 0 : index
        %get3A_545 = vector.load %arg0[%get3A_542, %get3A_543, %get3A_544] : memref<7x32x128xf32, #tpu.memory_space<vmem>>, vector<1x1x128xf32>
        %get3A_546 = vector.shape_cast %get3A_545 : vector<1x1x128xf32> to vector<1x128xf32>
        %min3A_547 = vector.broadcast %get3A_546 : vector<1x128xf32> to vector<128x128xf32>
        %min3A_548 = arith.minimumf %get3A_541, %min3A_547 : vector<128x128xf32>
        %get3A_549 = arith.constant 1 : index
        %get3A_550 = arith.constant 0 : index
        %get3A_551 = arith.constant 0 : index
        %get3A_552 = vector.load %arg4[%get3A_549, %get3A_550, %get3A_551] : memref<7x128x128xf32, #tpu.memory_space<vmem>>, vector<1x128x128xf32>
        %get3A_553 = vector.shape_cast %get3A_552 : vector<1x128x128xf32> to vector<128x128xf32>
        %get3A_554 = arith.constant 1 : index
        %get3A_555 = arith.index_cast %add3A_508 : i32 to index
        %get3A_556 = arith.constant 0 : index
        %get3A_557 = vector.load %arg0[%get3A_554, %get3A_555, %get3A_556] : memref<7x32x128xf32, #tpu.memory_space<vmem>>, vector<1x1x128xf32>
        %get3A_558 = vector.shape_cast %get3A_557 : vector<1x1x128xf32> to vector<1x128xf32>
        %max3A_559 = vector.broadcast %get3A_558 : vector<1x128xf32> to vector<128x128xf32>
        %max3A_560 = arith.maximumf %get3A_553, %max3A_559 : vector<128x128xf32>
        %sub3A_561 = arith.subf %min3A_548, %max3A_560 : vector<128x128xf32>
        %max3A_562 = arith.constant 0.000000e+00 : f32
        %max3A_563 = vector.broadcast %max3A_562 : f32 to vector<128x128xf32>
        %max3A_564 = arith.maximumf %sub3A_561, %max3A_563 : vector<128x128xf32>
        %get3A_565 = arith.constant 5 : index
        %get3A_566 = arith.constant 0 : index
        %get3A_567 = arith.constant 0 : index
        %get3A_568 = vector.load %arg4[%get3A_565, %get3A_566, %get3A_567] : memref<7x128x128xf32, #tpu.memory_space<vmem>>, vector<1x128x128xf32>
        %get3A_569 = vector.shape_cast %get3A_568 : vector<1x128x128xf32> to vector<128x128xf32>
        %get3A_570 = arith.constant 5 : index
        %get3A_571 = arith.index_cast %add3A_508 : i32 to index
        %get3A_572 = arith.constant 0 : index
        %get3A_573 = vector.load %arg0[%get3A_570, %get3A_571, %get3A_572] : memref<7x32x128xf32, #tpu.memory_space<vmem>>, vector<1x1x128xf32>
        %get3A_574 = vector.shape_cast %get3A_573 : vector<1x1x128xf32> to vector<1x128xf32>
        %min3A_575 = vector.broadcast %get3A_574 : vector<1x128xf32> to vector<128x128xf32>
        %min3A_576 = arith.minimumf %get3A_569, %min3A_575 : vector<128x128xf32>
        %get3A_577 = arith.constant 2 : index
        %get3A_578 = arith.constant 0 : index
        %get3A_579 = arith.constant 0 : index
        %get3A_580 = vector.load %arg4[%get3A_577, %get3A_578, %get3A_579] : memref<7x128x128xf32, #tpu.memory_space<vmem>>, vector<1x128x128xf32>
        %get3A_581 = vector.shape_cast %get3A_580 : vector<1x128x128xf32> to vector<128x128xf32>
        %get3A_582 = arith.constant 2 : index
        %get3A_583 = arith.index_cast %add3A_508 : i32 to index
        %get3A_584 = arith.constant 0 : index
        %get3A_585 = vector.load %arg0[%get3A_582, %get3A_583, %get3A_584] : memref<7x32x128xf32, #tpu.memory_space<vmem>>, vector<1x1x128xf32>
        %get3A_586 = vector.shape_cast %get3A_585 : vector<1x1x128xf32> to vector<1x128xf32>
        %max3A_587 = vector.broadcast %get3A_586 : vector<1x128xf32> to vector<128x128xf32>
        %max3A_588 = arith.maximumf %get3A_581, %max3A_587 : vector<128x128xf32>
        %sub3A_589 = arith.subf %min3A_576, %max3A_588 : vector<128x128xf32>
        %max3A_590 = arith.constant 0.000000e+00 : f32
        %max3A_591 = vector.broadcast %max3A_590 : f32 to vector<128x128xf32>
        %max3A_592 = arith.maximumf %sub3A_589, %max3A_591 : vector<128x128xf32>
        %mul3A_593 = arith.mulf %max3A_536, %max3A_564 : vector<128x128xf32>
        %mul3A_594 = arith.mulf %mul3A_593, %max3A_592 : vector<128x128xf32>
        %get3A_595 = arith.constant 6 : index
        %get3A_596 = arith.constant 0 : index
        %get3A_597 = arith.constant 0 : index
        %get3A_598 = vector.load %arg4[%get3A_595, %get3A_596, %get3A_597] : memref<7x128x128xf32, #tpu.memory_space<vmem>>, vector<1x128x128xf32>
        %get3A_599 = vector.shape_cast %get3A_598 : vector<1x128x128xf32> to vector<128x128xf32>
        %get3A_600 = arith.constant 6 : index
        %get3A_601 = arith.index_cast %add3A_508 : i32 to index
        %get3A_602 = arith.constant 0 : index
        %get3A_603 = vector.load %arg0[%get3A_600, %get3A_601, %get3A_602] : memref<7x32x128xf32, #tpu.memory_space<vmem>>, vector<1x1x128xf32>
        %get3A_604 = vector.shape_cast %get3A_603 : vector<1x1x128xf32> to vector<1x128xf32>
        %add3A_605 = vector.broadcast %get3A_604 : vector<1x128xf32> to vector<128x128xf32>
        %add3A_606 = arith.addf %get3A_599, %add3A_605 : vector<128x128xf32>
        %sub3A_607 = arith.subf %add3A_606, %mul3A_594 : vector<128x128xf32>
        %max3A_608 = arith.constant 9.99999997E-7 : f32
        %max3A_609 = vector.broadcast %max3A_608 : f32 to vector<128x128xf32>
        %max3A_610 = arith.maximumf %sub3A_607, %max3A_609 : vector<128x128xf32>
        %mul3A_611 = arith.constant 1.000000e-01 : f32
        %mul3A_612 = vector.broadcast %mul3A_611 : f32 to vector<128x128xf32>
        %mul3A_613 = arith.mulf %mul3A_612, %max3A_610 : vector<128x128xf32>
        %gt3A_614 = arith.cmpf ogt, %mul3A_594, %mul3A_613 : vector<128x128xf32>
        %convert_element_type3A_615 = arith.extui %gt3A_614 : vector<128x128xi1> to vector<128x128xi32>
        %convert_element_type3A_616 = arith.sitofp %convert_element_type3A_615 : vector<128x128xi32> to vector<128x128xf32>
        %dot_general3A_617 = arith.constant dense<0.000000e+00> : vector<1x128xf32>
        %dot_general3A_618 = tpu.matmul %while3A_208#0, %convert_element_type3A_616, %dot_general3A_617 {dimension_numbers = #tpu.dot_dimension_numbers<[1], [0], [0], [1], [0, 0, 1, 1], [], []>, transpose_lhs_hint = false} : vector<1x128xf32>, vector<128x128xf32>, vector<1x128xf32> -> vector<1x128xf32>
        %gt3A_619 = arith.cmpi sgt, %add3A_508, %scan3A_9 : i32
        %convert_element_type3A_620 = arith.extui %gt3A_619 : i1 to i32
        %convert_element_type3A_621 = arith.sitofp %convert_element_type3A_620 : i32 to f32
        %get3A_622 = arith.index_cast %add3A_508 : i32 to index
        %get3A_623 = arith.constant 0 : index
        %get3A_624 = vector.load %arg3[%get3A_622, %get3A_623] : memref<32x128xf32, #tpu.memory_space<vmem>>, vector<1x128xf32>
        %mul3A_625 = vector.broadcast %convert_element_type3A_621 : f32 to vector<1x128xf32>
        %mul3A_626 = arith.mulf %dot_general3A_618, %mul3A_625 : vector<1x128xf32>
        %gt3A_627 = arith.constant 0.000000e+00 : f32
        %gt3A_628 = vector.broadcast %gt3A_627 : f32 to vector<1x128xf32>
        %gt3A_629 = arith.cmpf ogt, %mul3A_626, %gt3A_628 : vector<1x128xf32>
        %jit3A_630 = arith.constant 0.000000e+00 : f32
        %broadcast_in_dim3A_631 = vector.broadcast %jit3A_630 : f32 to vector<1x128xf32>
        %select_n3A_632 = arith.select %gt3A_629, %broadcast_in_dim3A_631, %get3A_624 : vector<1x128xi1>, vector<1x128xf32>
        %swap3A_633 = arith.index_cast %add3A_508 : i32 to index
        %swap3A_634 = arith.constant 0 : index
        %swap3A_635 = vector.load %arg3[%swap3A_633, %swap3A_634] : memref<32x128xf32, #tpu.memory_space<vmem>>, vector<1x128xf32>
        tpu.vector_store %arg3[%swap3A_633, %swap3A_634], %select_n3A_632 {strides = array<i32>} : memref<32x128xf32, #tpu.memory_space<vmem>>, vector<1x128xf32>,
        %mul3A_636 = arith.constant 8 : i32
        %mul3A_637 = arith.muli %while3A_243, %mul3A_636 : i32
        %add3A_638 = arith.constant 3 : i32
        %add3A_639 = arith.addi %mul3A_637, %add3A_638 : i32
        %get3A_640 = arith.constant 3 : index
        %get3A_641 = arith.constant 0 : index
        %get3A_642 = arith.constant 0 : index
        %get3A_643 = vector.load %arg4[%get3A_640, %get3A_641, %get3A_642] : memref<7x128x128xf32, #tpu.memory_space<vmem>>, vector<1x128x128xf32>
        %get3A_644 = vector.shape_cast %get3A_643 : vector<1x128x128xf32> to vector<128x128xf32>
        %get3A_645 = arith.constant 3 : index
        %get3A_646 = arith.index_cast %add3A_639 : i32 to index
        %get3A_647 = arith.constant 0 : index
        %get3A_648 = vector.load %arg0[%get3A_645, %get3A_646, %get3A_647] : memref<7x32x128xf32, #tpu.memory_space<vmem>>, vector<1x1x128xf32>
        %get3A_649 = vector.shape_cast %get3A_648 : vector<1x1x128xf32> to vector<1x128xf32>
        %min3A_650 = vector.broadcast %get3A_649 : vector<1x128xf32> to vector<128x128xf32>
        %min3A_651 = arith.minimumf %get3A_644, %min3A_650 : vector<128x128xf32>
        %get3A_652 = arith.constant 0 : index
        %get3A_653 = arith.constant 0 : index
        %get3A_654 = arith.constant 0 : index
        %get3A_655 = vector.load %arg4[%get3A_652, %get3A_653, %get3A_654] : memref<7x128x128xf32, #tpu.memory_space<vmem>>, vector<1x128x128xf32>
        %get3A_656 = vector.shape_cast %get3A_655 : vector<1x128x128xf32> to vector<128x128xf32>
        %get3A_657 = arith.constant 0 : index
        %get3A_658 = arith.index_cast %add3A_639 : i32 to index
        %get3A_659 = arith.constant 0 : index
        %get3A_660 = vector.load %arg0[%get3A_657, %get3A_658, %get3A_659] : memref<7x32x128xf32, #tpu.memory_space<vmem>>, vector<1x1x128xf32>
        %get3A_661 = vector.shape_cast %get3A_660 : vector<1x1x128xf32> to vector<1x128xf32>
        %max3A_662 = vector.broadcast %get3A_661 : vector<1x128xf32> to vector<128x128xf32>
        %max3A_663 = arith.maximumf %get3A_656, %max3A_662 : vector<128x128xf32>
        %sub3A_664 = arith.subf %min3A_651, %max3A_663 : vector<128x128xf32>
        %max3A_665 = arith.constant 0.000000e+00 : f32
        %max3A_666 = vector.broadcast %max3A_665 : f32 to vector<128x128xf32>
        %max3A_667 = arith.maximumf %sub3A_664, %max3A_666 : vector<128x128xf32>
        %get3A_668 = arith.constant 4 : index
        %get3A_669 = arith.constant 0 : index
        %get3A_670 = arith.constant 0 : index
        %get3A_671 = vector.load %arg4[%get3A_668, %get3A_669, %get3A_670] : memref<7x128x128xf32, #tpu.memory_space<vmem>>, vector<1x128x128xf32>
        %get3A_672 = vector.shape_cast %get3A_671 : vector<1x128x128xf32> to vector<128x128xf32>
        %get3A_673 = arith.constant 4 : index
        %get3A_674 = arith.index_cast %add3A_639 : i32 to index
        %get3A_675 = arith.constant 0 : index
        %get3A_676 = vector.load %arg0[%get3A_673, %get3A_674, %get3A_675] : memref<7x32x128xf32, #tpu.memory_space<vmem>>, vector<1x1x128xf32>
        %get3A_677 = vector.shape_cast %get3A_676 : vector<1x1x128xf32> to vector<1x128xf32>
        %min3A_678 = vector.broadcast %get3A_677 : vector<1x128xf32> to vector<128x128xf32>
        %min3A_679 = arith.minimumf %get3A_672, %min3A_678 : vector<128x128xf32>
        %get3A_680 = arith.constant 1 : index
        %get3A_681 = arith.constant 0 : index
        %get3A_682 = arith.constant 0 : index
        %get3A_683 = vector.load %arg4[%get3A_680, %get3A_681, %get3A_682] : memref<7x128x128xf32, #tpu.memory_space<vmem>>, vector<1x128x128xf32>
        %get3A_684 = vector.shape_cast %get3A_683 : vector<1x128x128xf32> to vector<128x128xf32>
        %get3A_685 = arith.constant 1 : index
        %get3A_686 = arith.index_cast %add3A_639 : i32 to index
        %get3A_687 = arith.constant 0 : index
        %get3A_688 = vector.load %arg0[%get3A_685, %get3A_686, %get3A_687] : memref<7x32x128xf32, #tpu.memory_space<vmem>>, vector<1x1x128xf32>
        %get3A_689 = vector.shape_cast %get3A_688 : vector<1x1x128xf32> to vector<1x128xf32>
        %max3A_690 = vector.broadcast %get3A_689 : vector<1x128xf32> to vector<128x128xf32>
        %max3A_691 = arith.maximumf %get3A_684, %max3A_690 : vector<128x128xf32>
        %sub3A_692 = arith.subf %min3A_679, %max3A_691 : vector<128x128xf32>
        %max3A_693 = arith.constant 0.000000e+00 : f32
        %max3A_694 = vector.broadcast %max3A_693 : f32 to vector<128x128xf32>
        %max3A_695 = arith.maximumf %sub3A_692, %max3A_694 : vector<128x128xf32>
        %get3A_696 = arith.constant 5 : index
        %get3A_697 = arith.constant 0 : index
        %get3A_698 = arith.constant 0 : index
        %get3A_699 = vector.load %arg4[%get3A_696, %get3A_697, %get3A_698] : memref<7x128x128xf32, #tpu.memory_space<vmem>>, vector<1x128x128xf32>
        %get3A_700 = vector.shape_cast %get3A_699 : vector<1x128x128xf32> to vector<128x128xf32>
        %get3A_701 = arith.constant 5 : index
        %get3A_702 = arith.index_cast %add3A_639 : i32 to index
        %get3A_703 = arith.constant 0 : index
        %get3A_704 = vector.load %arg0[%get3A_701, %get3A_702, %get3A_703] : memref<7x32x128xf32, #tpu.memory_space<vmem>>, vector<1x1x128xf32>
        %get3A_705 = vector.shape_cast %get3A_704 : vector<1x1x128xf32> to vector<1x128xf32>
        %min3A_706 = vector.broadcast %get3A_705 : vector<1x128xf32> to vector<128x128xf32>
        %min3A_707 = arith.minimumf %get3A_700, %min3A_706 : vector<128x128xf32>
        %get3A_708 = arith.constant 2 : index
        %get3A_709 = arith.constant 0 : index
        %get3A_710 = arith.constant 0 : index
        %get3A_711 = vector.load %arg4[%get3A_708, %get3A_709, %get3A_710] : memref<7x128x128xf32, #tpu.memory_space<vmem>>, vector<1x128x128xf32>
        %get3A_712 = vector.shape_cast %get3A_711 : vector<1x128x128xf32> to vector<128x128xf32>
        %get3A_713 = arith.constant 2 : index
        %get3A_714 = arith.index_cast %add3A_639 : i32 to index
        %get3A_715 = arith.constant 0 : index
        %get3A_716 = vector.load %arg0[%get3A_713, %get3A_714, %get3A_715] : memref<7x32x128xf32, #tpu.memory_space<vmem>>, vector<1x1x128xf32>
        %get3A_717 = vector.shape_cast %get3A_716 : vector<1x1x128xf32> to vector<1x128xf32>
        %max3A_718 = vector.broadcast %get3A_717 : vector<1x128xf32> to vector<128x128xf32>
        %max3A_719 = arith.maximumf %get3A_712, %max3A_718 : vector<128x128xf32>
        %sub3A_720 = arith.subf %min3A_707, %max3A_719 : vector<128x128xf32>
        %max3A_721 = arith.constant 0.000000e+00 : f32
        %max3A_722 = vector.broadcast %max3A_721 : f32 to vector<128x128xf32>
        %max3A_723 = arith.maximumf %sub3A_720, %max3A_722 : vector<128x128xf32>
        %mul3A_724 = arith.mulf %max3A_667, %max3A_695 : vector<128x128xf32>
        %mul3A_725 = arith.mulf %mul3A_724, %max3A_723 : vector<128x128xf32>
        %get3A_726 = arith.constant 6 : index
        %get3A_727 = arith.constant 0 : index
        %get3A_728 = arith.constant 0 : index
        %get3A_729 = vector.load %arg4[%get3A_726, %get3A_727, %get3A_728] : memref<7x128x128xf32, #tpu.memory_space<vmem>>, vector<1x128x128xf32>
        %get3A_730 = vector.shape_cast %get3A_729 : vector<1x128x128xf32> to vector<128x128xf32>
        %get3A_731 = arith.constant 6 : index
        %get3A_732 = arith.index_cast %add3A_639 : i32 to index
        %get3A_733 = arith.constant 0 : index
        %get3A_734 = vector.load %arg0[%get3A_731, %get3A_732, %get3A_733] : memref<7x32x128xf32, #tpu.memory_space<vmem>>, vector<1x1x128xf32>
        %get3A_735 = vector.shape_cast %get3A_734 : vector<1x1x128xf32> to vector<1x128xf32>
        %add3A_736 = vector.broadcast %get3A_735 : vector<1x128xf32> to vector<128x128xf32>
        %add3A_737 = arith.addf %get3A_730, %add3A_736 : vector<128x128xf32>
        %sub3A_738 = arith.subf %add3A_737, %mul3A_725 : vector<128x128xf32>
        %max3A_739 = arith.constant 9.99999997E-7 : f32
        %max3A_740 = vector.broadcast %max3A_739 : f32 to vector<128x128xf32>
        %max3A_741 = arith.maximumf %sub3A_738, %max3A_740 : vector<128x128xf32>
        %mul3A_742 = arith.constant 1.000000e-01 : f32
        %mul3A_743 = vector.broadcast %mul3A_742 : f32 to vector<128x128xf32>
        %mul3A_744 = arith.mulf %mul3A_743, %max3A_741 : vector<128x128xf32>
        %gt3A_745 = arith.cmpf ogt, %mul3A_725, %mul3A_744 : vector<128x128xf32>
        %convert_element_type3A_746 = arith.extui %gt3A_745 : vector<128x128xi1> to vector<128x128xi32>
        %convert_element_type3A_747 = arith.sitofp %convert_element_type3A_746 : vector<128x128xi32> to vector<128x128xf32>
        %dot_general3A_748 = arith.constant dense<0.000000e+00> : vector<1x128xf32>
        %dot_general3A_749 = tpu.matmul %while3A_208#0, %convert_element_type3A_747, %dot_general3A_748 {dimension_numbers = #tpu.dot_dimension_numbers<[1], [0], [0], [1], [0, 0, 1, 1], [], []>, transpose_lhs_hint = false} : vector<1x128xf32>, vector<128x128xf32>, vector<1x128xf32> -> vector<1x128xf32>
        %gt3A_750 = arith.cmpi sgt, %add3A_639, %scan3A_9 : i32
        %convert_element_type3A_751 = arith.extui %gt3A_750 : i1 to i32
        %convert_element_type3A_752 = arith.sitofp %convert_element_type3A_751 : i32 to f32
        %get3A_753 = arith.index_cast %add3A_639 : i32 to index
        %get3A_754 = arith.constant 0 : index
        %get3A_755 = vector.load %arg3[%get3A_753, %get3A_754] : memref<32x128xf32, #tpu.memory_space<vmem>>, vector<1x128xf32>
        %mul3A_756 = vector.broadcast %convert_element_type3A_752 : f32 to vector<1x128xf32>
        %mul3A_757 = arith.mulf %dot_general3A_749, %mul3A_756 : vector<1x128xf32>
        %gt3A_758 = arith.constant 0.000000e+00 : f32
        %gt3A_759 = vector.broadcast %gt3A_758 : f32 to vector<1x128xf32>
        %gt3A_760 = arith.cmpf ogt, %mul3A_757, %gt3A_759 : vector<1x128xf32>
        %jit3A_761 = arith.constant 0.000000e+00 : f32
        %broadcast_in_dim3A_762 = vector.broadcast %jit3A_761 : f32 to vector<1x128xf32>
        %select_n3A_763 = arith.select %gt3A_760, %broadcast_in_dim3A_762, %get3A_755 : vector<1x128xi1>, vector<1x128xf32>
        %swap3A_764 = arith.index_cast %add3A_639 : i32 to index
        %swap3A_765 = arith.constant 0 : index
        %swap3A_766 = vector.load %arg3[%swap3A_764, %swap3A_765] : memref<32x128xf32, #tpu.memory_space<vmem>>, vector<1x128xf32>
        tpu.vector_store %arg3[%swap3A_764, %swap3A_765], %select_n3A_763 {strides = array<i32>} : memref<32x128xf32, #tpu.memory_space<vmem>>, vector<1x128xf32>,
        %mul3A_767 = arith.constant 8 : i32
        %mul3A_768 = arith.muli %while3A_243, %mul3A_767 : i32
        %add3A_769 = arith.constant 4 : i32
        %add3A_770 = arith.addi %mul3A_768, %add3A_769 : i32
        %get3A_771 = arith.constant 3 : index
        %get3A_772 = arith.constant 0 : index
        %get3A_773 = arith.constant 0 : index
        %get3A_774 = vector.load %arg4[%get3A_771, %get3A_772, %get3A_773] : memref<7x128x128xf32, #tpu.memory_space<vmem>>, vector<1x128x128xf32>
        %get3A_775 = vector.shape_cast %get3A_774 : vector<1x128x128xf32> to vector<128x128xf32>
        %get3A_776 = arith.constant 3 : index
        %get3A_777 = arith.index_cast %add3A_770 : i32 to index
        %get3A_778 = arith.constant 0 : index
        %get3A_779 = vector.load %arg0[%get3A_776, %get3A_777, %get3A_778] : memref<7x32x128xf32, #tpu.memory_space<vmem>>, vector<1x1x128xf32>
        %get3A_780 = vector.shape_cast %get3A_779 : vector<1x1x128xf32> to vector<1x128xf32>
        %min3A_781 = vector.broadcast %get3A_780 : vector<1x128xf32> to vector<128x128xf32>
        %min3A_782 = arith.minimumf %get3A_775, %min3A_781 : vector<128x128xf32>
        %get3A_783 = arith.constant 0 : index
        %get3A_784 = arith.constant 0 : index
        %get3A_785 = arith.constant 0 : index
        %get3A_786 = vector.load %arg4[%get3A_783, %get3A_784, %get3A_785] : memref<7x128x128xf32, #tpu.memory_space<vmem>>, vector<1x128x128xf32>
        %get3A_787 = vector.shape_cast %get3A_786 : vector<1x128x128xf32> to vector<128x128xf32>
        %get3A_788 = arith.constant 0 : index
        %get3A_789 = arith.index_cast %add3A_770 : i32 to index
        %get3A_790 = arith.constant 0 : index
        %get3A_791 = vector.load %arg0[%get3A_788, %get3A_789, %get3A_790] : memref<7x32x128xf32, #tpu.memory_space<vmem>>, vector<1x1x128xf32>
        %get3A_792 = vector.shape_cast %get3A_791 : vector<1x1x128xf32> to vector<1x128xf32>
        %max3A_793 = vector.broadcast %get3A_792 : vector<1x128xf32> to vector<128x128xf32>
        %max3A_794 = arith.maximumf %get3A_787, %max3A_793 : vector<128x128xf32>
        %sub3A_795 = arith.subf %min3A_782, %max3A_794 : vector<128x128xf32>
        %max3A_796 = arith.constant 0.000000e+00 : f32
        %max3A_797 = vector.broadcast %max3A_796 : f32 to vector<128x128xf32>
        %max3A_798 = arith.maximumf %sub3A_795, %max3A_797 : vector<128x128xf32>
        %get3A_799 = arith.constant 4 : index
        %get3A_800 = arith.constant 0 : index
        %get3A_801 = arith.constant 0 : index
        %get3A_802 = vector.load %arg4[%get3A_799, %get3A_800, %get3A_801] : memref<7x128x128xf32, #tpu.memory_space<vmem>>, vector<1x128x128xf32>
        %get3A_803 = vector.shape_cast %get3A_802 : vector<1x128x128xf32> to vector<128x128xf32>
        %get3A_804 = arith.constant 4 : index
        %get3A_805 = arith.index_cast %add3A_770 : i32 to index
        %get3A_806 = arith.constant 0 : index
        %get3A_807 = vector.load %arg0[%get3A_804, %get3A_805, %get3A_806] : memref<7x32x128xf32, #tpu.memory_space<vmem>>, vector<1x1x128xf32>
        %get3A_808 = vector.shape_cast %get3A_807 : vector<1x1x128xf32> to vector<1x128xf32>
        %min3A_809 = vector.broadcast %get3A_808 : vector<1x128xf32> to vector<128x128xf32>
        %min3A_810 = arith.minimumf %get3A_803, %min3A_809 : vector<128x128xf32>
        %get3A_811 = arith.constant 1 : index
        %get3A_812 = arith.constant 0 : index
        %get3A_813 = arith.constant 0 : index
        %get3A_814 = vector.load %arg4[%get3A_811, %get3A_812, %get3A_813] : memref<7x128x128xf32, #tpu.memory_space<vmem>>, vector<1x128x128xf32>
        %get3A_815 = vector.shape_cast %get3A_814 : vector<1x128x128xf32> to vector<128x128xf32>
        %get3A_816 = arith.constant 1 : index
        %get3A_817 = arith.index_cast %add3A_770 : i32 to index
        %get3A_818 = arith.constant 0 : index
        %get3A_819 = vector.load %arg0[%get3A_816, %get3A_817, %get3A_818] : memref<7x32x128xf32, #tpu.memory_space<vmem>>, vector<1x1x128xf32>
        %get3A_820 = vector.shape_cast %get3A_819 : vector<1x1x128xf32> to vector<1x128xf32>
        %max3A_821 = vector.broadcast %get3A_820 : vector<1x128xf32> to vector<128x128xf32>
        %max3A_822 = arith.maximumf %get3A_815, %max3A_821 : vector<128x128xf32>
        %sub3A_823 = arith.subf %min3A_810, %max3A_822 : vector<128x128xf32>
        %max3A_824 = arith.constant 0.000000e+00 : f32
        %max3A_825 = vector.broadcast %max3A_824 : f32 to vector<128x128xf32>
        %max3A_826 = arith.maximumf %sub3A_823, %max3A_825 : vector<128x128xf32>
        %get3A_827 = arith.constant 5 : index
        %get3A_828 = arith.constant 0 : index
        %get3A_829 = arith.constant 0 : index
        %get3A_830 = vector.load %arg4[%get3A_827, %get3A_828, %get3A_829] : memref<7x128x128xf32, #tpu.memory_space<vmem>>, vector<1x128x128xf32>
        %get3A_831 = vector.shape_cast %get3A_830 : vector<1x128x128xf32> to vector<128x128xf32>
        %get3A_832 = arith.constant 5 : index
        %get3A_833 = arith.index_cast %add3A_770 : i32 to index
        %get3A_834 = arith.constant 0 : index
        %get3A_835 = vector.load %arg0[%get3A_832, %get3A_833, %get3A_834] : memref<7x32x128xf32, #tpu.memory_space<vmem>>, vector<1x1x128xf32>
        %get3A_836 = vector.shape_cast %get3A_835 : vector<1x1x128xf32> to vector<1x128xf32>
        %min3A_837 = vector.broadcast %get3A_836 : vector<1x128xf32> to vector<128x128xf32>
        %min3A_838 = arith.minimumf %get3A_831, %min3A_837 : vector<128x128xf32>
        %get3A_839 = arith.constant 2 : index
        %get3A_840 = arith.constant 0 : index
        %get3A_841 = arith.constant 0 : index
        %get3A_842 = vector.load %arg4[%get3A_839, %get3A_840, %get3A_841] : memref<7x128x128xf32, #tpu.memory_space<vmem>>, vector<1x128x128xf32>
        %get3A_843 = vector.shape_cast %get3A_842 : vector<1x128x128xf32> to vector<128x128xf32>
        %get3A_844 = arith.constant 2 : index
        %get3A_845 = arith.index_cast %add3A_770 : i32 to index
        %get3A_846 = arith.constant 0 : index
        %get3A_847 = vector.load %arg0[%get3A_844, %get3A_845, %get3A_846] : memref<7x32x128xf32, #tpu.memory_space<vmem>>, vector<1x1x128xf32>
        %get3A_848 = vector.shape_cast %get3A_847 : vector<1x1x128xf32> to vector<1x128xf32>
        %max3A_849 = vector.broadcast %get3A_848 : vector<1x128xf32> to vector<128x128xf32>
        %max3A_850 = arith.maximumf %get3A_843, %max3A_849 : vector<128x128xf32>
        %sub3A_851 = arith.subf %min3A_838, %max3A_850 : vector<128x128xf32>
        %max3A_852 = arith.constant 0.000000e+00 : f32
        %max3A_853 = vector.broadcast %max3A_852 : f32 to vector<128x128xf32>
        %max3A_854 = arith.maximumf %sub3A_851, %max3A_853 : vector<128x128xf32>
        %mul3A_855 = arith.mulf %max3A_798, %max3A_826 : vector<128x128xf32>
        %mul3A_856 = arith.mulf %mul3A_855, %max3A_854 : vector<128x128xf32>
        %get3A_857 = arith.constant 6 : index
        %get3A_858 = arith.constant 0 : index
        %get3A_859 = arith.constant 0 : index
        %get3A_860 = vector.load %arg4[%get3A_857, %get3A_858, %get3A_859] : memref<7x128x128xf32, #tpu.memory_space<vmem>>, vector<1x128x128xf32>
        %get3A_861 = vector.shape_cast %get3A_860 : vector<1x128x128xf32> to vector<128x128xf32>
        %get3A_862 = arith.constant 6 : index
        %get3A_863 = arith.index_cast %add3A_770 : i32 to index
        %get3A_864 = arith.constant 0 : index
        %get3A_865 = vector.load %arg0[%get3A_862, %get3A_863, %get3A_864] : memref<7x32x128xf32, #tpu.memory_space<vmem>>, vector<1x1x128xf32>
        %get3A_866 = vector.shape_cast %get3A_865 : vector<1x1x128xf32> to vector<1x128xf32>
        %add3A_867 = vector.broadcast %get3A_866 : vector<1x128xf32> to vector<128x128xf32>
        %add3A_868 = arith.addf %get3A_861, %add3A_867 : vector<128x128xf32>
        %sub3A_869 = arith.subf %add3A_868, %mul3A_856 : vector<128x128xf32>
        %max3A_870 = arith.constant 9.99999997E-7 : f32
        %max3A_871 = vector.broadcast %max3A_870 : f32 to vector<128x128xf32>
        %max3A_872 = arith.maximumf %sub3A_869, %max3A_871 : vector<128x128xf32>
        %mul3A_873 = arith.constant 1.000000e-01 : f32
        %mul3A_874 = vector.broadcast %mul3A_873 : f32 to vector<128x128xf32>
        %mul3A_875 = arith.mulf %mul3A_874, %max3A_872 : vector<128x128xf32>
        %gt3A_876 = arith.cmpf ogt, %mul3A_856, %mul3A_875 : vector<128x128xf32>
        %convert_element_type3A_877 = arith.extui %gt3A_876 : vector<128x128xi1> to vector<128x128xi32>
        %convert_element_type3A_878 = arith.sitofp %convert_element_type3A_877 : vector<128x128xi32> to vector<128x128xf32>
        %dot_general3A_879 = arith.constant dense<0.000000e+00> : vector<1x128xf32>
        %dot_general3A_880 = tpu.matmul %while3A_208#0, %convert_element_type3A_878, %dot_general3A_879 {dimension_numbers = #tpu.dot_dimension_numbers<[1], [0], [0], [1], [0, 0, 1, 1], [], []>, transpose_lhs_hint = false} : vector<1x128xf32>, vector<128x128xf32>, vector<1x128xf32> -> vector<1x128xf32>
        %gt3A_881 = arith.cmpi sgt, %add3A_770, %scan3A_9 : i32
        %convert_element_type3A_882 = arith.extui %gt3A_881 : i1 to i32
        %convert_element_type3A_883 = arith.sitofp %convert_element_type3A_882 : i32 to f32
        %get3A_884 = arith.index_cast %add3A_770 : i32 to index
        %get3A_885 = arith.constant 0 : index
        %get3A_886 = vector.load %arg3[%get3A_884, %get3A_885] : memref<32x128xf32, #tpu.memory_space<vmem>>, vector<1x128xf32>
        %mul3A_887 = vector.broadcast %convert_element_type3A_883 : f32 to vector<1x128xf32>
        %mul3A_888 = arith.mulf %dot_general3A_880, %mul3A_887 : vector<1x128xf32>
        %gt3A_889 = arith.constant 0.000000e+00 : f32
        %gt3A_890 = vector.broadcast %gt3A_889 : f32 to vector<1x128xf32>
        %gt3A_891 = arith.cmpf ogt, %mul3A_888, %gt3A_890 : vector<1x128xf32>
        %jit3A_892 = arith.constant 0.000000e+00 : f32
        %broadcast_in_dim3A_893 = vector.broadcast %jit3A_892 : f32 to vector<1x128xf32>
        %select_n3A_894 = arith.select %gt3A_891, %broadcast_in_dim3A_893, %get3A_886 : vector<1x128xi1>, vector<1x128xf32>
        %swap3A_895 = arith.index_cast %add3A_770 : i32 to index
        %swap3A_896 = arith.constant 0 : index
        %swap3A_897 = vector.load %arg3[%swap3A_895, %swap3A_896] : memref<32x128xf32, #tpu.memory_space<vmem>>, vector<1x128xf32>
        tpu.vector_store %arg3[%swap3A_895, %swap3A_896], %select_n3A_894 {strides = array<i32>} : memref<32x128xf32, #tpu.memory_space<vmem>>, vector<1x128xf32>,
        %mul3A_898 = arith.constant 8 : i32
        %mul3A_899 = arith.muli %while3A_243, %mul3A_898 : i32
        %add3A_900 = arith.constant 5 : i32
        %add3A_901 = arith.addi %mul3A_899, %add3A_900 : i32
        %get3A_902 = arith.constant 3 : index
        %get3A_903 = arith.constant 0 : index
        %get3A_904 = arith.constant 0 : index
        %get3A_905 = vector.load %arg4[%get3A_902, %get3A_903, %get3A_904] : memref<7x128x128xf32, #tpu.memory_space<vmem>>, vector<1x128x128xf32>
        %get3A_906 = vector.shape_cast %get3A_905 : vector<1x128x128xf32> to vector<128x128xf32>
        %get3A_907 = arith.constant 3 : index
        %get3A_908 = arith.index_cast %add3A_901 : i32 to index
        %get3A_909 = arith.constant 0 : index
        %get3A_910 = vector.load %arg0[%get3A_907, %get3A_908, %get3A_909] : memref<7x32x128xf32, #tpu.memory_space<vmem>>, vector<1x1x128xf32>
        %get3A_911 = vector.shape_cast %get3A_910 : vector<1x1x128xf32> to vector<1x128xf32>
        %min3A_912 = vector.broadcast %get3A_911 : vector<1x128xf32> to vector<128x128xf32>
        %min3A_913 = arith.minimumf %get3A_906, %min3A_912 : vector<128x128xf32>
        %get3A_914 = arith.constant 0 : index
        %get3A_915 = arith.constant 0 : index
        %get3A_916 = arith.constant 0 : index
        %get3A_917 = vector.load %arg4[%get3A_914, %get3A_915, %get3A_916] : memref<7x128x128xf32, #tpu.memory_space<vmem>>, vector<1x128x128xf32>
        %get3A_918 = vector.shape_cast %get3A_917 : vector<1x128x128xf32> to vector<128x128xf32>
        %get3A_919 = arith.constant 0 : index
        %get3A_920 = arith.index_cast %add3A_901 : i32 to index
        %get3A_921 = arith.constant 0 : index
        %get3A_922 = vector.load %arg0[%get3A_919, %get3A_920, %get3A_921] : memref<7x32x128xf32, #tpu.memory_space<vmem>>, vector<1x1x128xf32>
        %get3A_923 = vector.shape_cast %get3A_922 : vector<1x1x128xf32> to vector<1x128xf32>
        %max3A_924 = vector.broadcast %get3A_923 : vector<1x128xf32> to vector<128x128xf32>
        %max3A_925 = arith.maximumf %get3A_918, %max3A_924 : vector<128x128xf32>
        %sub3A_926 = arith.subf %min3A_913, %max3A_925 : vector<128x128xf32>
        %max3A_927 = arith.constant 0.000000e+00 : f32
        %max3A_928 = vector.broadcast %max3A_927 : f32 to vector<128x128xf32>
        %max3A_929 = arith.maximumf %sub3A_926, %max3A_928 : vector<128x128xf32>
        %get3A_930 = arith.constant 4 : index
        %get3A_931 = arith.constant 0 : index
        %get3A_932 = arith.constant 0 : index
        %get3A_933 = vector.load %arg4[%get3A_930, %get3A_931, %get3A_932] : memref<7x128x128xf32, #tpu.memory_space<vmem>>, vector<1x128x128xf32>
        %get3A_934 = vector.shape_cast %get3A_933 : vector<1x128x128xf32> to vector<128x128xf32>
        %get3A_935 = arith.constant 4 : index
        %get3A_936 = arith.index_cast %add3A_901 : i32 to index
        %get3A_937 = arith.constant 0 : index
        %get3A_938 = vector.load %arg0[%get3A_935, %get3A_936, %get3A_937] : memref<7x32x128xf32, #tpu.memory_space<vmem>>, vector<1x1x128xf32>
        %get3A_939 = vector.shape_cast %get3A_938 : vector<1x1x128xf32> to vector<1x128xf32>
        %min3A_940 = vector.broadcast %get3A_939 : vector<1x128xf32> to vector<128x128xf32>
        %min3A_941 = arith.minimumf %get3A_934, %min3A_940 : vector<128x128xf32>
        %get3A_942 = arith.constant 1 : index
        %get3A_943 = arith.constant 0 : index
        %get3A_944 = arith.constant 0 : index
        %get3A_945 = vector.load %arg4[%get3A_942, %get3A_943, %get3A_944] : memref<7x128x128xf32, #tpu.memory_space<vmem>>, vector<1x128x128xf32>
        %get3A_946 = vector.shape_cast %get3A_945 : vector<1x128x128xf32> to vector<128x128xf32>
        %get3A_947 = arith.constant 1 : index
        %get3A_948 = arith.index_cast %add3A_901 : i32 to index
        %get3A_949 = arith.constant 0 : index
        %get3A_950 = vector.load %arg0[%get3A_947, %get3A_948, %get3A_949] : memref<7x32x128xf32, #tpu.memory_space<vmem>>, vector<1x1x128xf32>
        %get3A_951 = vector.shape_cast %get3A_950 : vector<1x1x128xf32> to vector<1x128xf32>
        %max3A_952 = vector.broadcast %get3A_951 : vector<1x128xf32> to vector<128x128xf32>
        %max3A_953 = arith.maximumf %get3A_946, %max3A_952 : vector<128x128xf32>
        %sub3A_954 = arith.subf %min3A_941, %max3A_953 : vector<128x128xf32>
        %max3A_955 = arith.constant 0.000000e+00 : f32
        %max3A_956 = vector.broadcast %max3A_955 : f32 to vector<128x128xf32>
        %max3A_957 = arith.maximumf %sub3A_954, %max3A_956 : vector<128x128xf32>
        %get3A_958 = arith.constant 5 : index
        %get3A_959 = arith.constant 0 : index
        %get3A_960 = arith.constant 0 : index
        %get3A_961 = vector.load %arg4[%get3A_958, %get3A_959, %get3A_960] : memref<7x128x128xf32, #tpu.memory_space<vmem>>, vector<1x128x128xf32>
        %get3A_962 = vector.shape_cast %get3A_961 : vector<1x128x128xf32> to vector<128x128xf32>
        %get3A_963 = arith.constant 5 : index
        %get3A_964 = arith.index_cast %add3A_901 : i32 to index
        %get3A_965 = arith.constant 0 : index
        %get3A_966 = vector.load %arg0[%get3A_963, %get3A_964, %get3A_965] : memref<7x32x128xf32, #tpu.memory_space<vmem>>, vector<1x1x128xf32>
        %get3A_967 = vector.shape_cast %get3A_966 : vector<1x1x128xf32> to vector<1x128xf32>
        %min3A_968 = vector.broadcast %get3A_967 : vector<1x128xf32> to vector<128x128xf32>
        %min3A_969 = arith.minimumf %get3A_962, %min3A_968 : vector<128x128xf32>
        %get3A_970 = arith.constant 2 : index
        %get3A_971 = arith.constant 0 : index
        %get3A_972 = arith.constant 0 : index
        %get3A_973 = vector.load %arg4[%get3A_970, %get3A_971, %get3A_972] : memref<7x128x128xf32, #tpu.memory_space<vmem>>, vector<1x128x128xf32>
        %get3A_974 = vector.shape_cast %get3A_973 : vector<1x128x128xf32> to vector<128x128xf32>
        %get3A_975 = arith.constant 2 : index
        %get3A_976 = arith.index_cast %add3A_901 : i32 to index
        %get3A_977 = arith.constant 0 : index
        %get3A_978 = vector.load %arg0[%get3A_975, %get3A_976, %get3A_977] : memref<7x32x128xf32, #tpu.memory_space<vmem>>, vector<1x1x128xf32>
        %get3A_979 = vector.shape_cast %get3A_978 : vector<1x1x128xf32> to vector<1x128xf32>
        %max3A_980 = vector.broadcast %get3A_979 : vector<1x128xf32> to vector<128x128xf32>
        %max3A_981 = arith.maximumf %get3A_974, %max3A_980 : vector<128x128xf32>
        %sub3A_982 = arith.subf %min3A_969, %max3A_981 : vector<128x128xf32>
        %max3A_983 = arith.constant 0.000000e+00 : f32
        %max3A_984 = vector.broadcast %max3A_983 : f32 to vector<128x128xf32>
        %max3A_985 = arith.maximumf %sub3A_982, %max3A_984 : vector<128x128xf32>
        %mul3A_986 = arith.mulf %max3A_929, %max3A_957 : vector<128x128xf32>
        %mul3A_987 = arith.mulf %mul3A_986, %max3A_985 : vector<128x128xf32>
        %get3A_988 = arith.constant 6 : index
        %get3A_989 = arith.constant 0 : index
        %get3A_990 = arith.constant 0 : index
        %get3A_991 = vector.load %arg4[%get3A_988, %get3A_989, %get3A_990] : memref<7x128x128xf32, #tpu.memory_space<vmem>>, vector<1x128x128xf32>
        %get3A_992 = vector.shape_cast %get3A_991 : vector<1x128x128xf32> to vector<128x128xf32>
        %get3A_993 = arith.constant 6 : index
        %get3A_994 = arith.index_cast %add3A_901 : i32 to index
        %get3A_995 = arith.constant 0 : index
        %get3A_996 = vector.load %arg0[%get3A_993, %get3A_994, %get3A_995] : memref<7x32x128xf32, #tpu.memory_space<vmem>>, vector<1x1x128xf32>
        %get3A_997 = vector.shape_cast %get3A_996 : vector<1x1x128xf32> to vector<1x128xf32>
        %add3A_998 = vector.broadcast %get3A_997 : vector<1x128xf32> to vector<128x128xf32>
        %add3A_999 = arith.addf %get3A_992, %add3A_998 : vector<128x128xf32>
        %sub3A_1000 = arith.subf %add3A_999, %mul3A_987 : vector<128x128xf32>
        %max3A_1001 = arith.constant 9.99999997E-7 : f32
        %max3A_1002 = vector.broadcast %max3A_1001 : f32 to vector<128x128xf32>
        %max3A_1003 = arith.maximumf %sub3A_1000, %max3A_1002 : vector<128x128xf32>
        %mul3A_1004 = arith.constant 1.000000e-01 : f32
        %mul3A_1005 = vector.broadcast %mul3A_1004 : f32 to vector<128x128xf32>
        %mul3A_1006 = arith.mulf %mul3A_1005, %max3A_1003 : vector<128x128xf32>
        %gt3A_1007 = arith.cmpf ogt, %mul3A_987, %mul3A_1006 : vector<128x128xf32>
        %convert_element_type3A_1008 = arith.extui %gt3A_1007 : vector<128x128xi1> to vector<128x128xi32>
        %convert_element_type3A_1009 = arith.sitofp %convert_element_type3A_1008 : vector<128x128xi32> to vector<128x128xf32>
        %dot_general3A_1010 = arith.constant dense<0.000000e+00> : vector<1x128xf32>
        %dot_general3A_1011 = tpu.matmul %while3A_208#0, %convert_element_type3A_1009, %dot_general3A_1010 {dimension_numbers = #tpu.dot_dimension_numbers<[1], [0], [0], [1], [0, 0, 1, 1], [], []>, transpose_lhs_hint = false} : vector<1x128xf32>, vector<128x128xf32>, vector<1x128xf32> -> vector<1x128xf32>
        %gt3A_1012 = arith.cmpi sgt, %add3A_901, %scan3A_9 : i32
        %convert_element_type3A_1013 = arith.extui %gt3A_1012 : i1 to i32
        %convert_element_type3A_1014 = arith.sitofp %convert_element_type3A_1013 : i32 to f32
        %get3A_1015 = arith.index_cast %add3A_901 : i32 to index
        %get3A_1016 = arith.constant 0 : index
        %get3A_1017 = vector.load %arg3[%get3A_1015, %get3A_1016] : memref<32x128xf32, #tpu.memory_space<vmem>>, vector<1x128xf32>
        %mul3A_1018 = vector.broadcast %convert_element_type3A_1014 : f32 to vector<1x128xf32>
        %mul3A_1019 = arith.mulf %dot_general3A_1011, %mul3A_1018 : vector<1x128xf32>
        %gt3A_1020 = arith.constant 0.000000e+00 : f32
        %gt3A_1021 = vector.broadcast %gt3A_1020 : f32 to vector<1x128xf32>
        %gt3A_1022 = arith.cmpf ogt, %mul3A_1019, %gt3A_1021 : vector<1x128xf32>
        %jit3A_1023 = arith.constant 0.000000e+00 : f32
        %broadcast_in_dim3A_1024 = vector.broadcast %jit3A_1023 : f32 to vector<1x128xf32>
        %select_n3A_1025 = arith.select %gt3A_1022, %broadcast_in_dim3A_1024, %get3A_1017 : vector<1x128xi1>, vector<1x128xf32>
        %swap3A_1026 = arith.index_cast %add3A_901 : i32 to index
        %swap3A_1027 = arith.constant 0 : index
        %swap3A_1028 = vector.load %arg3[%swap3A_1026, %swap3A_1027] : memref<32x128xf32, #tpu.memory_space<vmem>>, vector<1x128xf32>
        tpu.vector_store %arg3[%swap3A_1026, %swap3A_1027], %select_n3A_1025 {strides = array<i32>} : memref<32x128xf32, #tpu.memory_space<vmem>>, vector<1x128xf32>,
        %mul3A_1029 = arith.constant 8 : i32
        %mul3A_1030 = arith.muli %while3A_243, %mul3A_1029 : i32
        %add3A_1031 = arith.constant 6 : i32
        %add3A_1032 = arith.addi %mul3A_1030, %add3A_1031 : i32
        %get3A_1033 = arith.constant 3 : index
        %get3A_1034 = arith.constant 0 : index
        %get3A_1035 = arith.constant 0 : index
        %get3A_1036 = vector.load %arg4[%get3A_1033, %get3A_1034, %get3A_1035] : memref<7x128x128xf32, #tpu.memory_space<vmem>>, vector<1x128x128xf32>
        %get3A_1037 = vector.shape_cast %get3A_1036 : vector<1x128x128xf32> to vector<128x128xf32>
        %get3A_1038 = arith.constant 3 : index
        %get3A_1039 = arith.index_cast %add3A_1032 : i32 to index
        %get3A_1040 = arith.constant 0 : index
        %get3A_1041 = vector.load %arg0[%get3A_1038, %get3A_1039, %get3A_1040] : memref<7x32x128xf32, #tpu.memory_space<vmem>>, vector<1x1x128xf32>
        %get3A_1042 = vector.shape_cast %get3A_1041 : vector<1x1x128xf32> to vector<1x128xf32>
        %min3A_1043 = vector.broadcast %get3A_1042 : vector<1x128xf32> to vector<128x128xf32>
        %min3A_1044 = arith.minimumf %get3A_1037, %min3A_1043 : vector<128x128xf32>
        %get3A_1045 = arith.constant 0 : index
        %get3A_1046 = arith.constant 0 : index
        %get3A_1047 = arith.constant 0 : index
        %get3A_1048 = vector.load %arg4[%get3A_1045, %get3A_1046, %get3A_1047] : memref<7x128x128xf32, #tpu.memory_space<vmem>>, vector<1x128x128xf32>
        %get3A_1049 = vector.shape_cast %get3A_1048 : vector<1x128x128xf32> to vector<128x128xf32>
        %get3A_1050 = arith.constant 0 : index
        %get3A_1051 = arith.index_cast %add3A_1032 : i32 to index
        %get3A_1052 = arith.constant 0 : index
        %get3A_1053 = vector.load %arg0[%get3A_1050, %get3A_1051, %get3A_1052] : memref<7x32x128xf32, #tpu.memory_space<vmem>>, vector<1x1x128xf32>
        %get3A_1054 = vector.shape_cast %get3A_1053 : vector<1x1x128xf32> to vector<1x128xf32>
        %max3A_1055 = vector.broadcast %get3A_1054 : vector<1x128xf32> to vector<128x128xf32>
        %max3A_1056 = arith.maximumf %get3A_1049, %max3A_1055 : vector<128x128xf32>
        %sub3A_1057 = arith.subf %min3A_1044, %max3A_1056 : vector<128x128xf32>
        %max3A_1058 = arith.constant 0.000000e+00 : f32
        %max3A_1059 = vector.broadcast %max3A_1058 : f32 to vector<128x128xf32>
        %max3A_1060 = arith.maximumf %sub3A_1057, %max3A_1059 : vector<128x128xf32>
        %get3A_1061 = arith.constant 4 : index
        %get3A_1062 = arith.constant 0 : index
        %get3A_1063 = arith.constant 0 : index
        %get3A_1064 = vector.load %arg4[%get3A_1061, %get3A_1062, %get3A_1063] : memref<7x128x128xf32, #tpu.memory_space<vmem>>, vector<1x128x128xf32>
        %get3A_1065 = vector.shape_cast %get3A_1064 : vector<1x128x128xf32> to vector<128x128xf32>
        %get3A_1066 = arith.constant 4 : index
        %get3A_1067 = arith.index_cast %add3A_1032 : i32 to index
        %get3A_1068 = arith.constant 0 : index
        %get3A_1069 = vector.load %arg0[%get3A_1066, %get3A_1067, %get3A_1068] : memref<7x32x128xf32, #tpu.memory_space<vmem>>, vector<1x1x128xf32>
        %get3A_1070 = vector.shape_cast %get3A_1069 : vector<1x1x128xf32> to vector<1x128xf32>
        %min3A_1071 = vector.broadcast %get3A_1070 : vector<1x128xf32> to vector<128x128xf32>
        %min3A_1072 = arith.minimumf %get3A_1065, %min3A_1071 : vector<128x128xf32>
        %get3A_1073 = arith.constant 1 : index
        %get3A_1074 = arith.constant 0 : index
        %get3A_1075 = arith.constant 0 : index
        %get3A_1076 = vector.load %arg4[%get3A_1073, %get3A_1074, %get3A_1075] : memref<7x128x128xf32, #tpu.memory_space<vmem>>, vector<1x128x128xf32>
        %get3A_1077 = vector.shape_cast %get3A_1076 : vector<1x128x128xf32> to vector<128x128xf32>
        %get3A_1078 = arith.constant 1 : index
        %get3A_1079 = arith.index_cast %add3A_1032 : i32 to index
        %get3A_1080 = arith.constant 0 : index
        %get3A_1081 = vector.load %arg0[%get3A_1078, %get3A_1079, %get3A_1080] : memref<7x32x128xf32, #tpu.memory_space<vmem>>, vector<1x1x128xf32>
        %get3A_1082 = vector.shape_cast %get3A_1081 : vector<1x1x128xf32> to vector<1x128xf32>
        %max3A_1083 = vector.broadcast %get3A_1082 : vector<1x128xf32> to vector<128x128xf32>
        %max3A_1084 = arith.maximumf %get3A_1077, %max3A_1083 : vector<128x128xf32>
        %sub3A_1085 = arith.subf %min3A_1072, %max3A_1084 : vector<128x128xf32>
        %max3A_1086 = arith.constant 0.000000e+00 : f32
        %max3A_1087 = vector.broadcast %max3A_1086 : f32 to vector<128x128xf32>
        %max3A_1088 = arith.maximumf %sub3A_1085, %max3A_1087 : vector<128x128xf32>
        %get3A_1089 = arith.constant 5 : index
        %get3A_1090 = arith.constant 0 : index
        %get3A_1091 = arith.constant 0 : index
        %get3A_1092 = vector.load %arg4[%get3A_1089, %get3A_1090, %get3A_1091] : memref<7x128x128xf32, #tpu.memory_space<vmem>>, vector<1x128x128xf32>
        %get3A_1093 = vector.shape_cast %get3A_1092 : vector<1x128x128xf32> to vector<128x128xf32>
        %get3A_1094 = arith.constant 5 : index
        %get3A_1095 = arith.index_cast %add3A_1032 : i32 to index
        %get3A_1096 = arith.constant 0 : index
        %get3A_1097 = vector.load %arg0[%get3A_1094, %get3A_1095, %get3A_1096] : memref<7x32x128xf32, #tpu.memory_space<vmem>>, vector<1x1x128xf32>
        %get3A_1098 = vector.shape_cast %get3A_1097 : vector<1x1x128xf32> to vector<1x128xf32>
        %min3A_1099 = vector.broadcast %get3A_1098 : vector<1x128xf32> to vector<128x128xf32>
        %min3A_1100 = arith.minimumf %get3A_1093, %min3A_1099 : vector<128x128xf32>
        %get3A_1101 = arith.constant 2 : index
        %get3A_1102 = arith.constant 0 : index
        %get3A_1103 = arith.constant 0 : index
        %get3A_1104 = vector.load %arg4[%get3A_1101, %get3A_1102, %get3A_1103] : memref<7x128x128xf32, #tpu.memory_space<vmem>>, vector<1x128x128xf32>
        %get3A_1105 = vector.shape_cast %get3A_1104 : vector<1x128x128xf32> to vector<128x128xf32>
        %get3A_1106 = arith.constant 2 : index
        %get3A_1107 = arith.index_cast %add3A_1032 : i32 to index
        %get3A_1108 = arith.constant 0 : index
        %get3A_1109 = vector.load %arg0[%get3A_1106, %get3A_1107, %get3A_1108] : memref<7x32x128xf32, #tpu.memory_space<vmem>>, vector<1x1x128xf32>
        %get3A_1110 = vector.shape_cast %get3A_1109 : vector<1x1x128xf32> to vector<1x128xf32>
        %max3A_1111 = vector.broadcast %get3A_1110 : vector<1x128xf32> to vector<128x128xf32>
        %max3A_1112 = arith.maximumf %get3A_1105, %max3A_1111 : vector<128x128xf32>
        %sub3A_1113 = arith.subf %min3A_1100, %max3A_1112 : vector<128x128xf32>
        %max3A_1114 = arith.constant 0.000000e+00 : f32
        %max3A_1115 = vector.broadcast %max3A_1114 : f32 to vector<128x128xf32>
        %max3A_1116 = arith.maximumf %sub3A_1113, %max3A_1115 : vector<128x128xf32>
        %mul3A_1117 = arith.mulf %max3A_1060, %max3A_1088 : vector<128x128xf32>
        %mul3A_1118 = arith.mulf %mul3A_1117, %max3A_1116 : vector<128x128xf32>
        %get3A_1119 = arith.constant 6 : index
        %get3A_1120 = arith.constant 0 : index
        %get3A_1121 = arith.constant 0 : index
        %get3A_1122 = vector.load %arg4[%get3A_1119, %get3A_1120, %get3A_1121] : memref<7x128x128xf32, #tpu.memory_space<vmem>>, vector<1x128x128xf32>
        %get3A_1123 = vector.shape_cast %get3A_1122 : vector<1x128x128xf32> to vector<128x128xf32>
        %get3A_1124 = arith.constant 6 : index
        %get3A_1125 = arith.index_cast %add3A_1032 : i32 to index
        %get3A_1126 = arith.constant 0 : index
        %get3A_1127 = vector.load %arg0[%get3A_1124, %get3A_1125, %get3A_1126] : memref<7x32x128xf32, #tpu.memory_space<vmem>>, vector<1x1x128xf32>
        %get3A_1128 = vector.shape_cast %get3A_1127 : vector<1x1x128xf32> to vector<1x128xf32>
        %add3A_1129 = vector.broadcast %get3A_1128 : vector<1x128xf32> to vector<128x128xf32>
        %add3A_1130 = arith.addf %get3A_1123, %add3A_1129 : vector<128x128xf32>
        %sub3A_1131 = arith.subf %add3A_1130, %mul3A_1118 : vector<128x128xf32>
        %max3A_1132 = arith.constant 9.99999997E-7 : f32
        %max3A_1133 = vector.broadcast %max3A_1132 : f32 to vector<128x128xf32>
        %max3A_1134 = arith.maximumf %sub3A_1131, %max3A_1133 : vector<128x128xf32>
        %mul3A_1135 = arith.constant 1.000000e-01 : f32
        %mul3A_1136 = vector.broadcast %mul3A_1135 : f32 to vector<128x128xf32>
        %mul3A_1137 = arith.mulf %mul3A_1136, %max3A_1134 : vector<128x128xf32>
        %gt3A_1138 = arith.cmpf ogt, %mul3A_1118, %mul3A_1137 : vector<128x128xf32>
        %convert_element_type3A_1139 = arith.extui %gt3A_1138 : vector<128x128xi1> to vector<128x128xi32>
        %convert_element_type3A_1140 = arith.sitofp %convert_element_type3A_1139 : vector<128x128xi32> to vector<128x128xf32>
        %dot_general3A_1141 = arith.constant dense<0.000000e+00> : vector<1x128xf32>
        %dot_general3A_1142 = tpu.matmul %while3A_208#0, %convert_element_type3A_1140, %dot_general3A_1141 {dimension_numbers = #tpu.dot_dimension_numbers<[1], [0], [0], [1], [0, 0, 1, 1], [], []>, transpose_lhs_hint = false} : vector<1x128xf32>, vector<128x128xf32>, vector<1x128xf32> -> vector<1x128xf32>
        %gt3A_1143 = arith.cmpi sgt, %add3A_1032, %scan3A_9 : i32
        %convert_element_type3A_1144 = arith.extui %gt3A_1143 : i1 to i32
        %convert_element_type3A_1145 = arith.sitofp %convert_element_type3A_1144 : i32 to f32
        %get3A_1146 = arith.index_cast %add3A_1032 : i32 to index
        %get3A_1147 = arith.constant 0 : index
        %get3A_1148 = vector.load %arg3[%get3A_1146, %get3A_1147] : memref<32x128xf32, #tpu.memory_space<vmem>>, vector<1x128xf32>
        %mul3A_1149 = vector.broadcast %convert_element_type3A_1145 : f32 to vector<1x128xf32>
        %mul3A_1150 = arith.mulf %dot_general3A_1142, %mul3A_1149 : vector<1x128xf32>
        %gt3A_1151 = arith.constant 0.000000e+00 : f32
        %gt3A_1152 = vector.broadcast %gt3A_1151 : f32 to vector<1x128xf32>
        %gt3A_1153 = arith.cmpf ogt, %mul3A_1150, %gt3A_1152 : vector<1x128xf32>
        %jit3A_1154 = arith.constant 0.000000e+00 : f32
        %broadcast_in_dim3A_1155 = vector.broadcast %jit3A_1154 : f32 to vector<1x128xf32>
        %select_n3A_1156 = arith.select %gt3A_1153, %broadcast_in_dim3A_1155, %get3A_1148 : vector<1x128xi1>, vector<1x128xf32>
        %swap3A_1157 = arith.index_cast %add3A_1032 : i32 to index
        %swap3A_1158 = arith.constant 0 : index
        %swap3A_1159 = vector.load %arg3[%swap3A_1157, %swap3A_1158] : memref<32x128xf32, #tpu.memory_space<vmem>>, vector<1x128xf32>
        tpu.vector_store %arg3[%swap3A_1157, %swap3A_1158], %select_n3A_1156 {strides = array<i32>} : memref<32x128xf32, #tpu.memory_space<vmem>>, vector<1x128xf32>,
        %mul3A_1160 = arith.constant 8 : i32
        %mul3A_1161 = arith.muli %while3A_243, %mul3A_1160 : i32
        %add3A_1162 = arith.constant 7 : i32
        %add3A_1163 = arith.addi %mul3A_1161, %add3A_1162 : i32
        %get3A_1164 = arith.constant 3 : index
        %get3A_1165 = arith.constant 0 : index
        %get3A_1166 = arith.constant 0 : index
        %get3A_1167 = vector.load %arg4[%get3A_1164, %get3A_1165, %get3A_1166] : memref<7x128x128xf32, #tpu.memory_space<vmem>>, vector<1x128x128xf32>
        %get3A_1168 = vector.shape_cast %get3A_1167 : vector<1x128x128xf32> to vector<128x128xf32>
        %get3A_1169 = arith.constant 3 : index
        %get3A_1170 = arith.index_cast %add3A_1163 : i32 to index
        %get3A_1171 = arith.constant 0 : index
        %get3A_1172 = vector.load %arg0[%get3A_1169, %get3A_1170, %get3A_1171] : memref<7x32x128xf32, #tpu.memory_space<vmem>>, vector<1x1x128xf32>
        %get3A_1173 = vector.shape_cast %get3A_1172 : vector<1x1x128xf32> to vector<1x128xf32>
        %min3A_1174 = vector.broadcast %get3A_1173 : vector<1x128xf32> to vector<128x128xf32>
        %min3A_1175 = arith.minimumf %get3A_1168, %min3A_1174 : vector<128x128xf32>
        %get3A_1176 = arith.constant 0 : index
        %get3A_1177 = arith.constant 0 : index
        %get3A_1178 = arith.constant 0 : index
        %get3A_1179 = vector.load %arg4[%get3A_1176, %get3A_1177, %get3A_1178] : memref<7x128x128xf32, #tpu.memory_space<vmem>>, vector<1x128x128xf32>
        %get3A_1180 = vector.shape_cast %get3A_1179 : vector<1x128x128xf32> to vector<128x128xf32>
        %get3A_1181 = arith.constant 0 : index
        %get3A_1182 = arith.index_cast %add3A_1163 : i32 to index
        %get3A_1183 = arith.constant 0 : index
        %get3A_1184 = vector.load %arg0[%get3A_1181, %get3A_1182, %get3A_1183] : memref<7x32x128xf32, #tpu.memory_space<vmem>>, vector<1x1x128xf32>
        %get3A_1185 = vector.shape_cast %get3A_1184 : vector<1x1x128xf32> to vector<1x128xf32>
        %max3A_1186 = vector.broadcast %get3A_1185 : vector<1x128xf32> to vector<128x128xf32>
        %max3A_1187 = arith.maximumf %get3A_1180, %max3A_1186 : vector<128x128xf32>
        %sub3A_1188 = arith.subf %min3A_1175, %max3A_1187 : vector<128x128xf32>
        %max3A_1189 = arith.constant 0.000000e+00 : f32
        %max3A_1190 = vector.broadcast %max3A_1189 : f32 to vector<128x128xf32>
        %max3A_1191 = arith.maximumf %sub3A_1188, %max3A_1190 : vector<128x128xf32>
        %get3A_1192 = arith.constant 4 : index
        %get3A_1193 = arith.constant 0 : index
        %get3A_1194 = arith.constant 0 : index
        %get3A_1195 = vector.load %arg4[%get3A_1192, %get3A_1193, %get3A_1194] : memref<7x128x128xf32, #tpu.memory_space<vmem>>, vector<1x128x128xf32>
        %get3A_1196 = vector.shape_cast %get3A_1195 : vector<1x128x128xf32> to vector<128x128xf32>
        %get3A_1197 = arith.constant 4 : index
        %get3A_1198 = arith.index_cast %add3A_1163 : i32 to index
        %get3A_1199 = arith.constant 0 : index
        %get3A_1200 = vector.load %arg0[%get3A_1197, %get3A_1198, %get3A_1199] : memref<7x32x128xf32, #tpu.memory_space<vmem>>, vector<1x1x128xf32>
        %get3A_1201 = vector.shape_cast %get3A_1200 : vector<1x1x128xf32> to vector<1x128xf32>
        %min3A_1202 = vector.broadcast %get3A_1201 : vector<1x128xf32> to vector<128x128xf32>
        %min3A_1203 = arith.minimumf %get3A_1196, %min3A_1202 : vector<128x128xf32>
        %get3A_1204 = arith.constant 1 : index
        %get3A_1205 = arith.constant 0 : index
        %get3A_1206 = arith.constant 0 : index
        %get3A_1207 = vector.load %arg4[%get3A_1204, %get3A_1205, %get3A_1206] : memref<7x128x128xf32, #tpu.memory_space<vmem>>, vector<1x128x128xf32>
        %get3A_1208 = vector.shape_cast %get3A_1207 : vector<1x128x128xf32> to vector<128x128xf32>
        %get3A_1209 = arith.constant 1 : index
        %get3A_1210 = arith.index_cast %add3A_1163 : i32 to index
        %get3A_1211 = arith.constant 0 : index
        %get3A_1212 = vector.load %arg0[%get3A_1209, %get3A_1210, %get3A_1211] : memref<7x32x128xf32, #tpu.memory_space<vmem>>, vector<1x1x128xf32>
        %get3A_1213 = vector.shape_cast %get3A_1212 : vector<1x1x128xf32> to vector<1x128xf32>
        %max3A_1214 = vector.broadcast %get3A_1213 : vector<1x128xf32> to vector<128x128xf32>
        %max3A_1215 = arith.maximumf %get3A_1208, %max3A_1214 : vector<128x128xf32>
        %sub3A_1216 = arith.subf %min3A_1203, %max3A_1215 : vector<128x128xf32>
        %max3A_1217 = arith.constant 0.000000e+00 : f32
        %max3A_1218 = vector.broadcast %max3A_1217 : f32 to vector<128x128xf32>
        %max3A_1219 = arith.maximumf %sub3A_1216, %max3A_1218 : vector<128x128xf32>
        %get3A_1220 = arith.constant 5 : index
        %get3A_1221 = arith.constant 0 : index
        %get3A_1222 = arith.constant 0 : index
        %get3A_1223 = vector.load %arg4[%get3A_1220, %get3A_1221, %get3A_1222] : memref<7x128x128xf32, #tpu.memory_space<vmem>>, vector<1x128x128xf32>
        %get3A_1224 = vector.shape_cast %get3A_1223 : vector<1x128x128xf32> to vector<128x128xf32>
        %get3A_1225 = arith.constant 5 : index
        %get3A_1226 = arith.index_cast %add3A_1163 : i32 to index
        %get3A_1227 = arith.constant 0 : index
        %get3A_1228 = vector.load %arg0[%get3A_1225, %get3A_1226, %get3A_1227] : memref<7x32x128xf32, #tpu.memory_space<vmem>>, vector<1x1x128xf32>
        %get3A_1229 = vector.shape_cast %get3A_1228 : vector<1x1x128xf32> to vector<1x128xf32>
        %min3A_1230 = vector.broadcast %get3A_1229 : vector<1x128xf32> to vector<128x128xf32>
        %min3A_1231 = arith.minimumf %get3A_1224, %min3A_1230 : vector<128x128xf32>
        %get3A_1232 = arith.constant 2 : index
        %get3A_1233 = arith.constant 0 : index
        %get3A_1234 = arith.constant 0 : index
        %get3A_1235 = vector.load %arg4[%get3A_1232, %get3A_1233, %get3A_1234] : memref<7x128x128xf32, #tpu.memory_space<vmem>>, vector<1x128x128xf32>
        %get3A_1236 = vector.shape_cast %get3A_1235 : vector<1x128x128xf32> to vector<128x128xf32>
        %get3A_1237 = arith.constant 2 : index
        %get3A_1238 = arith.index_cast %add3A_1163 : i32 to index
        %get3A_1239 = arith.constant 0 : index
        %get3A_1240 = vector.load %arg0[%get3A_1237, %get3A_1238, %get3A_1239] : memref<7x32x128xf32, #tpu.memory_space<vmem>>, vector<1x1x128xf32>
        %get3A_1241 = vector.shape_cast %get3A_1240 : vector<1x1x128xf32> to vector<1x128xf32>
        %max3A_1242 = vector.broadcast %get3A_1241 : vector<1x128xf32> to vector<128x128xf32>
        %max3A_1243 = arith.maximumf %get3A_1236, %max3A_1242 : vector<128x128xf32>
        %sub3A_1244 = arith.subf %min3A_1231, %max3A_1243 : vector<128x128xf32>
        %max3A_1245 = arith.constant 0.000000e+00 : f32
        %max3A_1246 = vector.broadcast %max3A_1245 : f32 to vector<128x128xf32>
        %max3A_1247 = arith.maximumf %sub3A_1244, %max3A_1246 : vector<128x128xf32>
        %mul3A_1248 = arith.mulf %max3A_1191, %max3A_1219 : vector<128x128xf32>
        %mul3A_1249 = arith.mulf %mul3A_1248, %max3A_1247 : vector<128x128xf32>
        %get3A_1250 = arith.constant 6 : index
        %get3A_1251 = arith.constant 0 : index
        %get3A_1252 = arith.constant 0 : index
        %get3A_1253 = vector.load %arg4[%get3A_1250, %get3A_1251, %get3A_1252] : memref<7x128x128xf32, #tpu.memory_space<vmem>>, vector<1x128x128xf32>
        %get3A_1254 = vector.shape_cast %get3A_1253 : vector<1x128x128xf32> to vector<128x128xf32>
        %get3A_1255 = arith.constant 6 : index
        %get3A_1256 = arith.index_cast %add3A_1163 : i32 to index
        %get3A_1257 = arith.constant 0 : index
        %get3A_1258 = vector.load %arg0[%get3A_1255, %get3A_1256, %get3A_1257] : memref<7x32x128xf32, #tpu.memory_space<vmem>>, vector<1x1x128xf32>
        %get3A_1259 = vector.shape_cast %get3A_1258 : vector<1x1x128xf32> to vector<1x128xf32>
        %add3A_1260 = vector.broadcast %get3A_1259 : vector<1x128xf32> to vector<128x128xf32>
        %add3A_1261 = arith.addf %get3A_1254, %add3A_1260 : vector<128x128xf32>
        %sub3A_1262 = arith.subf %add3A_1261, %mul3A_1249 : vector<128x128xf32>
        %max3A_1263 = arith.constant 9.99999997E-7 : f32
        %max3A_1264 = vector.broadcast %max3A_1263 : f32 to vector<128x128xf32>
        %max3A_1265 = arith.maximumf %sub3A_1262, %max3A_1264 : vector<128x128xf32>
        %mul3A_1266 = arith.constant 1.000000e-01 : f32
        %mul3A_1267 = vector.broadcast %mul3A_1266 : f32 to vector<128x128xf32>
        %mul3A_1268 = arith.mulf %mul3A_1267, %max3A_1265 : vector<128x128xf32>
        %gt3A_1269 = arith.cmpf ogt, %mul3A_1249, %mul3A_1268 : vector<128x128xf32>
        %convert_element_type3A_1270 = arith.extui %gt3A_1269 : vector<128x128xi1> to vector<128x128xi32>
        %convert_element_type3A_1271 = arith.sitofp %convert_element_type3A_1270 : vector<128x128xi32> to vector<128x128xf32>
        %dot_general3A_1272 = arith.constant dense<0.000000e+00> : vector<1x128xf32>
        %dot_general3A_1273 = tpu.matmul %while3A_208#0, %convert_element_type3A_1271, %dot_general3A_1272 {dimension_numbers = #tpu.dot_dimension_numbers<[1], [0], [0], [1], [0, 0, 1, 1], [], []>, transpose_lhs_hint = false} : vector<1x128xf32>, vector<128x128xf32>, vector<1x128xf32> -> vector<1x128xf32>
        %gt3A_1274 = arith.cmpi sgt, %add3A_1163, %scan3A_9 : i32
        %convert_element_type3A_1275 = arith.extui %gt3A_1274 : i1 to i32
        %convert_element_type3A_1276 = arith.sitofp %convert_element_type3A_1275 : i32 to f32
        %get3A_1277 = arith.index_cast %add3A_1163 : i32 to index
        %get3A_1278 = arith.constant 0 : index
        %get3A_1279 = vector.load %arg3[%get3A_1277, %get3A_1278] : memref<32x128xf32, #tpu.memory_space<vmem>>, vector<1x128xf32>
        %mul3A_1280 = vector.broadcast %convert_element_type3A_1276 : f32 to vector<1x128xf32>
        %mul3A_1281 = arith.mulf %dot_general3A_1273, %mul3A_1280 : vector<1x128xf32>
        %gt3A_1282 = arith.constant 0.000000e+00 : f32
        %gt3A_1283 = vector.broadcast %gt3A_1282 : f32 to vector<1x128xf32>
        %gt3A_1284 = arith.cmpf ogt, %mul3A_1281, %gt3A_1283 : vector<1x128xf32>
        %jit3A_1285 = arith.constant 0.000000e+00 : f32
        %broadcast_in_dim3A_1286 = vector.broadcast %jit3A_1285 : f32 to vector<1x128xf32>
        %select_n3A_1287 = arith.select %gt3A_1284, %broadcast_in_dim3A_1286, %get3A_1279 : vector<1x128xi1>, vector<1x128xf32>
        %swap3A_1288 = arith.index_cast %add3A_1163 : i32 to index
        %swap3A_1289 = arith.constant 0 : index
        %swap3A_1290 = vector.load %arg3[%swap3A_1288, %swap3A_1289] : memref<32x128xf32, #tpu.memory_space<vmem>>, vector<1x128xf32>
        tpu.vector_store %arg3[%swap3A_1288, %swap3A_1289], %select_n3A_1287 {strides = array<i32>} : memref<32x128xf32, #tpu.memory_space<vmem>>, vector<1x128xf32>,
      }
    }
    %scan3A_8 = arith.constant 32 : i32
    return
  }
}

</mosaic_0001>

<sc_bundles>
// kernel: kernel.4.cloned.1.call-start
scs
__scs_entry_jumppad:
0x0: {  	(pc) =	sbr.rel $0x88, $3  }
0x1: {  	(tag) =	ssettag $0x0;
	lr =	simm.s32 $0x1  }
0x2: {  	[smem:$0x3F9F] =	sst lr;
	_ =	strace $0xD0000000  }
0x3: {  	_ = 	snop  }
0x4: {  	_ = 	snop  }
0x5: {  	_ = 	snop  }
0x6: {  	_ = 	snop  }
0x7: {  	_ = 	snop  }
__scs_overlays_trampoline_lowered:
0x8: {  	[smem:$0x3FAE] =	sst s0  }
0x9: {  	[smem:$0x3FAF] =	sst s1  }
0xa: {  	[smem:$0x3FB0] =	sst s2  }
0xb: {  	[smem:$0x3FB1] =	sst s3  }
0xc: {  	[smem:$0x3FB2] =	sst s4  }
0xd: {  	[smem:$0x3FB3] =	sst s5  }
0xe: {  	[smem:$0x3FB4] =	sst s6  }
0xf: {  	[smem:$0x3FB5] =	sst s7  }
0x10: {  	[smem:$0x3FB6] =	sst s8  }
0x11: {  	[smem:$0x3FB7] =	sst s9;
	s0 =	simm.s32 @!p0 $0x0  }
0x12: {  	s1 =	sld [smem:$0x3F9D];
	s0 =	simm.s32 @p0 $0x1  }
0x13: {  	[smem:$0x3FB8] =	sst s0;
	s0 =	simm.s32 @!p1 $0x0  }
0x14: {  	s2 =	sld [smem:$0x3F9C];
	s0 =	simm.s32 @p1 $0x1  }
0x15: {  	[smem:$0x3FB9] =	sst s0;
	s0 =	simm.s32 @!p2 $0x0  }
0x16: {  	s3 =	sld [smem:$0x3FDB];
	s0 =	simm.s32 @p2 $0x1  }
0x17: {  	s4 =	simm.s32 $0x1BF5;
	[smem:$0x3FBB] =	sst s0  }
0x18: {  	s0 =	sld [smem:$0x3F9E];
	_ =	swait.ge [sflag:s4], $0x0  }
0x19: {  	s7 =	sld [smem:$0x3F9F]  }
0x1a: {  	s8 =	sadd.s32 $0xFFFFE003, lr  }
0x1b: {  	s9 =	sadd.s32 $0xFFFFFEF7, lr;
	s5 =	simm.s32 $0xFFFFFFFF;
	p2 =	slt.u32 s8, $0xFFFFF086  }
0x1c: {  	p1 =	slt.u32 s9, $0xF7A;
	s5 =	simm.s32 @!p2 $0x0  }
0x1d: {  	s5 =	simm.s32 @p1 $0x1;
	p0 =	seq.s32 s7, s2  }
0x1e: {  	s7 =	smul.u32 @!p0 $0xF7A, s2;
	p2 =	seq.s32 @!p0 s5, $0x0  }
0x1f: {  	s9 =	smul.u32 $0xF7A, s1;
	s8 =	simm.s32 @!p0 $0x1BF5;
	p2 =	por !p2, p0  }
0x20: {  	[sflag:s8] =	ssyncset.s32 @!p0 $0xFFFFF086;
	s6 =	sadd.s32 @!p0 s3, s7;
	s7 =	simm.s32 @!p0 $0x108  }
0x21: {  	s3 =	sadd.s32 s3, s9;
	s6 =	sadd.s32 @!p0 $0x88, s6;
	s7 =	simm.s32 @p2 $0x1082  }
0x22: {  	[simem:s7], [sflag:s8] =	dma.local @!p0 [hbm:s6], $0xF7A  }
0x23: {  	s9 =	sor.u32 $0xD0000000, s2;
	s6 =	simm.s32 $0x108;
	_ =	swait.ge @!p0 [sflag:s8], $0x0  }
0x24: {  	s3 =	sadd.s32 $0x88, s3;
	s6 =	simm.s32 @!p1 $0x1082;
	[sflag:s4] =	ssyncset.s32 $0xFFFFF086  }
0x25: {  	[simem:s6], [sflag:s4] =	dma.local [hbm:s3], $0xF7A  }
0x26: {  	[smem:$0x3F9F] =	sst s1;
	(tag) =	ssettag s2;
	_ =	strace s9  }
0x27: {  	s1 =	sld [smem:$0x3FAF]  }
0x28: {  	s2 =	sld [smem:$0x3FB0]  }
0x29: {  	s4 =	sld [smem:$0x3FB2]  }
0x2a: {  	p0 =	seq.s32 s5, $0x0;
	s5 =	sld [smem:$0x3FB3]  }
0x2b: {  	s6 =	sld [smem:$0x3FB4]  }
0x2c: {  	s7 =	sld [smem:$0x3FB5]  }
0x2d: {  	s3 =	simm.s32 $0x108;
	s8 =	sld [smem:$0x3FB6]  }
0x2e: {  	s3 =	simm.s32 @!p0 $0x1082;
	s9 =	sld [smem:$0x3FB7]  }
0x2f: {  	lr =	sadd.s32 s0, s3;
	s0 =	sld [smem:$0x3FAE]  }
0x30: {  	s3 =	sld [smem:$0x3FB1]  }
0x31: {  	[smem:$0x3FBA] =	sst s10  }
0x32: {  	s10 =	sld [smem:$0x3FB8];
	_ =	sdelay $0x3  }
0x33: {  	p0 =	seq.s32 s10, $0x1;
	s10 =	sld [smem:$0x3FBA];
	_ =	sdelay $0x3  }
0x34: {  	[smem:$0x3FBA] =	sst s10  }
0x35: {  	s10 =	sld [smem:$0x3FB9];
	_ =	sdelay $0x3  }
0x36: {  	p1 =	seq.s32 s10, $0x1;
	s10 =	sld [smem:$0x3FBA];
	_ =	sdelay $0x3  }
0x37: {  	[smem:$0x3FBA] =	sst s10  }
0x38: {  	s10 =	sld [smem:$0x3FBB]  }
0x39: {  	_ = 	snop;
	(pc) =	sbr.ind lr, $3  }
0x3a: {  	_ = 	snop  }
0x3b: {  	_ = 	snop  }
0x3c: {  	p2 =	seq.s32 s10, $0x1;
	s10 =	sld [smem:$0x3FBA]  }
0x3d: {  	_ =	shalt  }
0x3e: {  	_ =	shalt  }
0x3f: {  	_ =	shalt  }
0x40: {  	_ =	shalt  }
0x41: {  	_ =	shalt  }
0x42: {  	_ =	shalt  }
0x43: {  	_ =	shalt  }
0x44: {  	_ =	shalt  }
0x45: {  	_ =	shalt  }
0x46: {  	_ =	shalt  }
0x47: {  	_ =	shalt  }
0x48: {  	_ =	shalt  }
0x49: {  	_ =	shalt  }
0x4a: {  	_ =	shalt  }
0x4b: {  	_ =	shalt  }
0x4c: {  	_ =	shalt  }
0x4d: {  	_ =	shalt  }
0x4e: {  	_ =	shalt  }
0x4f: {  	_ =	shalt  }
0x50: {  	_ =	shalt  }
0x51: {  	_ =	shalt  }
0x52: {  	_ =	shalt  }
0x53: {  	_ =	shalt  }
0x54: {  	_ =	shalt  }
0x55: {  	_ =	shalt  }
0x56: {  	_ =	shalt  }
0x57: {  	_ =	shalt  }
0x58: {  	_ =	shalt  }
0x59: {  	_ =	shalt  }
0x5a: {  	_ =	shalt  }
0x5b: {  	_ =	shalt  }
0x5c: {  	_ =	shalt  }
0x5d: {  	_ =	shalt  }
0x5e: {  	_ =	shalt  }
0x5f: {  	_ =	shalt  }
0x60: {  	_ =	shalt  }
0x61: {  	_ =	shalt  }
0x62: {  	_ =	shalt  }
0x63: {  	_ =	shalt  }
0x64: {  	_ =	shalt  }
0x65: {  	_ =	shalt  }
0x66: {  	_ =	shalt  }
0x67: {  	_ =	shalt  }
0x68: {  	_ =	shalt  }
0x69: {  	_ =	shalt  }
0x6a: {  	_ =	shalt  }
0x6b: {  	_ =	shalt  }
0x6c: {  	_ =	shalt  }
0x6d: {  	_ =	shalt  }
0x6e: {  	_ =	shalt  }
0x6f: {  	_ =	shalt  }
0x70: {  	_ =	shalt  }
0x71: {  	_ =	shalt  }
0x72: {  	_ =	shalt  }
0x73: {  	_ =	shalt  }
0x74: {  	_ =	shalt  }
0x75: {  	_ =	shalt  }
0x76: {  	_ =	shalt  }
0x77: {  	_ =	shalt  }
0x78: {  	_ =	shalt  }
0x79: {  	_ =	shalt  }
0x7a: {  	_ =	shalt  }
0x7b: {  	_ =	shalt  }
0x7c: {  	_ =	shalt  }
0x7d: {  	_ =	shalt  }
0x7e: {  	_ =	shalt  }
0x7f: {  	_ =	shalt  }
0x80: {  	_ =	shalt  }
0x81: {  	_ =	shalt  }
0x82: {  	_ =	shalt  }
0x83: {  	_ =	shalt  }
0x84: {  	_ =	shalt  }
0x85: {  	_ =	shalt  }
0x86: {  	_ =	shalt  }
0x87: {  	_ =	shalt  }
.Lfunc_end0:
.L_simem_size_0:
called_computation_lowered:
.L_overlay_start_0:
0x88: {  	s2 =	sld [smem:$0x3FD9]  }
0x89: {  	s3 =	sld [smem:$0x3FFE];
	_ =	sdelay $0x1  }
0x8a: {  	s1 =	srdreg.scid  }
0x8b: {  	s0 =	sand.u32 $0x1, s1  }
0x8c: {  	s16 =	sshll.u32 s0, $0xA;
	s2 =	sadd.s32 s3, s2  }
0x8d: {  	s2 =	sadd.s32 s2, s16  }
0x8e: {  	[smem:$0x3FC6] =	sst s2  }
0x8f: {  	_ = 	snop  }
0x90: {  	(tm) =	ssettm $0x1  }
0x91: {  	s17 =	sld [smem:$0x3FFB];
	_ =	sdelay $0x3  }
0x92: {  	_ =	strace s17  }
0x93: {  	s2 =	sld [smem:$0x3FFC];
	_ =	sdelay $0x3  }
0x94: {  	_ =	strace s2  }
0x95: {  	s2 =	sld [smem:$0x3FFD];
	_ =	sdelay $0x3  }
0x96: {  	_ =	strace s2  }
0x97: {  	_ =	strace $0x8FFFFFFF  }
0x98: {  	s18 =	sld [smem:$0x3FDB];
	_ =	sdelay $0x1  }
0x99: {  	s19 =	simm.s32 $_scs_section_size  }
0x9a: {  	s4 =	simm.s32 $_size__tile_overlayer_lowered;
	s5 =	simm.s32 $_tile_overlayer_lowered  }
0x9b: {  	s22 =	simm.s32 $0x1BFF;
	s21 =	sshll.u32 s5, $0x1;
	s2 =	sadd.s32 s19, s18  }
0x9c: {  	s6 =	simm.s32 $0x0;
	s20 =	sshll.u32 s4, $0x1;
	s4 =	sadd.s32 s21, s2  }
0x9d: {  	[timem:s6], [sflag:s22] =	dma.local [hbm:s4], s20  }
0x9e: {  	_ =	swait.ge [sflag:s22], s20  }
0x9f: {  	s3 =	ssub.s32 $0x0, s20;
	[sflag:s22] =	ssyncset.done $0x0  }
0xa0: {  	[sflag:s22] =	ssyncadd.s32 s3;
	_ =	sdelay $0x1  }
0xa1: {  	s23 =	simm.s32 $0x1B8B  }
0xa2: {  	_ =	swait.ge [sflag:s23], $0x1  }
0xa3: {  	[sflag:s23] =	ssyncset.done $0x0  }
0xa4: {  	s25 =	simm.s32 $0x1B8E;
	s24 =	sld [smem:$0x3FFE];
	[sflag:s23] =	ssyncadd.s32 $0xFFFFFFFF  }
0xa5: {  	s26 =	simm.s32 $execute0_lowered;
	[smem:$0x3FD2] =	sst s25  }
0xa6: {  	s4 =	sshll.u32 s26, $0x1;
	_ =	strace $0x80000046;
	[dreg:$0x1] =	wrdreg $0xFFFFFFFF  }
0xa7: {  	s28 =	simm.s32 $_size_execute0_lowered;
	s2 =	sadd.s32 s2, s4;
	[dreg:$0x0] =	wrdreg $0x0  }
0xa8: {  	s4 =	sshll.u32 s28, $0x1;
	[dreg:$0x2] =	wrdreg s2  }
0xa9: {  	[dreg:$0x3] =	wrdreg s4  }
0xaa: {  	[dreg:$0x4] =	wrdreg $0xC0  }
0xab: {  	_ =	task [dreg:s6], $0x5FFFF  }
0xac: {  	[dreg:$0x1] =	wrdreg $0xFFFFFFFF  }
0xad: {  	[dreg:$0x0] =	wrdreg $0x60  }
0xae: {  	[dreg:$0x2] =	wrdreg s24  }
0xaf: {  	[dreg:$0x3] =	wrdreg $0x9  }
0xb0: {  	_ =	task.clear_ibuf [dreg:s6], $0x4FFFF;
	_ =	strace $0x90000046  }
0xb1: {  	s29 =	simm.s32 $0x9;
	_ =	strace $0x80000048  }
0xb2: {  	_ =	swait.ge [sflag:s29], $0x1  }
0xb3: {  	[sflag:s29] =	ssyncadd.s32 $0xFFFFFFFF  }
0xb4: {  	_ =	strace $0x90000048  }
0xb5: {  	_ =	sfence  }
0xb6: {  	s30 =	sld [smem:$0x0];
	_ =	sdelay $0x2  }
0xb7: {  	s31 =	sshll.u32 s1, $0xD;
	s1 =	sshrl.u32 s1, $0x2  }
0xb8: {  	s3 =	sand.u32 $0x4000, s31;
	s1 =	sadd.s32 s1, s30  }
0xb9: {  	s0 =	sor.u32 s3, s0;
	s1 =	sshll.u32 s1, $0x11  }
0xba: {  	s0 =	sor.u32 s1, s0  }
0xbb: {  	s0 =	sadd.s32 $0x8F2B, s0  }
0xbc: {  	[sflag:s0] =	ssyncadd.remote.s32 $0x1  }
0xbd: {  	_ =	sfence.sel $0xFFFF  }
0xbe: {  	[dreg:$0x0] =	wrdreg $0xFFFFFFFF;
	(pc) =	sbr.abs _section_cstart, $3  }
0xbf: {  	[dreg:$0x1] =	wrdreg $0xFFFFFFFF  }
0xc0: {  	_ =	task.clear_ibuf [dreg:s6], $0x2FFFF;
	_ =	strace $0x9FFFFFFF  }
0xc1: {  	(tm) =	ssettm $0x7FFFFFFF  }
tec
execute0_lowered:
.L_overlay_start_1:
0x0: {  	(tag) =	ssettag $0x1  }
0x1: {  	s1 =	srdreg.scid;
	s0 =	stileid.u32  }
0x2: {  	s8 =	rddreg [dreg:$0x0];
	s2 =	simm.s32 $0x0;
	s6 =	sand.u32 $0x1, s1  }
0x3: {  	s3 =	sshll.u32 s0, $0x8;
	s1 =	rddreg [dreg:$0x1];
	s4 =	sshll.u32 s6, $0x7  }
0x4: {  	s7 =	simm.s32 $0x1;
	[smem:$0x7FF] =	sst s2;
	s9 =	sor.u32 s4, s3  }
0x5: {  	s5 =	sadd.s32 $0x200, s8;
	_ =	strace $0x80000047;
	s3 =	sshrl.u32 s9, $0x3  }
0x6: {  	s10 =	ssub.s32 $0x2, s6;
	s4 =	sadd.s32 s8, s3;
	s3 =	simm.s32 $0x2  }
0x7: {  	[tilespmem:s2], [sflag:$0x2] =	stream.linear.gather [hbm4b:s4+s2], $0x80, $0x38;
	[tilespmem:$0x4080] =	vst v63  }
0x8: {  	s6 =	simm.s32 $0x80;
	s11 =	sshrl.u32 s10, $0x1;
	_ =	swait.ge [sflag:s3], $0x80  }
0x9: {  	s9 =	sshll.u32 s9, $0x4;
	s31 =	ssub.s32 s10, s11;
	[sflag:s3] =	ssyncset.done $0x0  }
0xa: {  	s8 =	sadd.s32 s9, s8;
	s9 =	smax.u32 s31, $0x1;
	[sflag:s3] =	ssyncadd.s32 $0xFFFFFF80  }
0xb: {  	[tilespmem:s6], [sflag:$0x1] =	stream.indirect.gather [hbm4b:s5+s6], $0x80, s2, s6, $0xb8;
	[tilespmem:$0x4080] =	vst v63  }
0xc: {  	p0 =	sne.s32 s9, $0x1;
	_ =	swait.ge [sflag:s7], $0x4000  }
.Ltmp0:
0xd: {  	[sflag:s7] =	ssyncset.done $0x0;
	(pc) =	sbr.rel @!p0 .LBB2_2-.Ltmp0, $4  }
0xe: {  	s8 =	sadd.s32 $0x4E400, s8;
	[sflag:s7] =	ssyncadd.s32 $0xFFFFC000  }
0xf: {  	[hbm4b:s8+s2] =	stream.linear.scatter [tilespmem:s6], [sflag:$0x2], $0x4000, $0x38;
	[tilespmem:$0x4080] =	vst v63  }
0x10: {  	_ =	swait.ge [sflag:s3], $0x4000  }
0x11: {  	s9 =	sadd.s32 $0xFFFFFFFF, s9;
	[sflag:s3] =	ssyncset.done $0x0  }
.LBB2_1:
0x12: {  	p0 =	sne.s32 s9, $0x1;
	s9 =	sadd.s32 $0xFFFFFFFF, s9;
	[sflag:s3] =	ssyncadd.s32 $0xFFFFC000  }
0x13: {  	[tilespmem:s2], [sflag:$0x2] =	stream.linear.gather [hbm4b:s4+s2], $0x80, $0x38;
	[tilespmem:$0x4080] =	vst v63  }
0x14: {  	_ =	swait.ge [sflag:s3], $0x80  }
0x15: {  	[sflag:s3] =	ssyncset.done $0x0  }
0x16: {  	[sflag:s3] =	ssyncadd.s32 $0xFFFFFF80  }
0x17: {  	[tilespmem:s6], [sflag:$0x1] =	stream.indirect.gather [hbm4b:s5+s6], $0x80, s2, s6, $0xb8;
	[tilespmem:$0x4080] =	vst v63  }
0x18: {  	_ =	swait.ge [sflag:s7], $0x4000  }
.Ltmp1:
0x19: {  	[sflag:s7] =	ssyncset.done $0x0;
	(pc) =	sbr.rel @p0 .LBB2_1-.Ltmp1, $4  }
0x1a: {  	[sflag:s7] =	ssyncadd.s32 $0xFFFFC000  }
0x1b: {  	[hbm4b:s8+s2] =	stream.linear.scatter [tilespmem:s6], [sflag:$0x2], $0x4000, $0x38;
	[tilespmem:$0x4080] =	vst v63  }
0x1c: {  	_ =	swait.ge [sflag:s3], $0x4000  }
0x1d: {  	[sflag:s3] =	ssyncset.done $0x0  }
.LBB2_2:
0x1e: {  	[sflag:s3] =	ssyncadd.s32 $0xFFFFC000  }
0x1f: {  	_ =	sfence.sel $0x180000  }
0x20: {  	[bflag:$0x0] =	sbarrier.arrive $0xFFFF  }
0x21: {  	p0 =	sne.s32 s0, $0x0;
	_ =	strace $0x90000047  }
0x22: {  	s0 =	sadd.s32 @!p0 $0x100000, s1;
	[bflag:$0x2] =	sbarrier.arrive $0xFFFF  }
0x23: {  	[sflag:s0] =	ssyncadd.tile.s32 @!p0 $0x1;
	_ =	shalt  }
.Lfunc_end2:
_tile_overlayer_lowered:
.L_overlay_start_2:
0x24: {  	(tag) =	ssettag $0x2  }
0x25: {  	s0 =	rddreg [dreg:$0x0];
	s2 =	stileid.u32  }
0x26: {  	s1 =	rddreg [dreg:$0x1];
	p0 =	sne.s32 s2, $0x0  }
0x27: {  	s3 =	rddreg [dreg:$0x2];
	[bflag:$0x3] =	sbarrier.arrive $0xFFFF;
	s2 =	simm.s32 @!p0 $0x1C02  }
0x28: {  	[timem:s3], [sflag:s2] =	dma.local @!p0 [hbm:s0], s1  }
0x29: {  	s0 =	simm.s32 @!p0 $0x2  }
0x2a: {  	_ =	swait.ge @!p0 [sflag:s0], s1  }
0x2b: {  	s1 =	ssub.s32 @!p0 $0x0, s1;
	[sflag:s0] =	ssyncset.done @!p0 $0x0  }
0x2c: {  	[sflag:s0] =	ssyncadd.s32 @!p0 s1  }
0x2d: {  	[bflag:$0x3] =	sbarrier.arrive $0xFFFF  }
0x2e: {  	_ =	shalt  }

</sc_bundles>
